<compile_context>
chip_gen: v7x
topology: tpu7x:2x2x1
jax: 0.10.2.dev20260603
libtpu: 0.0.44.dev20260713+nightly
codegen_flags: <defaults>
</compile_context>

<pallas_src>
import numpy as np

import jax
import jax.numpy as jnp
from jax import lax
from jax.experimental import pallas as pl
from jax.experimental.pallas import tpu as pltpu
from jax.experimental.pallas import tpu_sc as plsc

B = 16384
L = 200
NC = 2
NS = 16
NW = NC * NS
ROWS_PER_TILE = B // NW
WPR = L // 4
TILE_WORDS = ROWS_PER_TILE * WPR
DROW = 128
DMA_ROWS = TILE_WORDS // DROW
SPLITS = (104, 96)
ILIST_PAD = 208
GROUPS = ROWS_PER_TILE // 16

_PACK = np.kron(np.eye(WPR, dtype=np.float32),
                np.array([1.0, 16.0, 256.0, 4096.0], np.float32)).T


def _body(inputs_hbm, table_hbm, w_hbm, b_hbm, out_hbm,
          slab_v, out_v, tab_v, w_v, b_v, lut_v, ilist_v, sem):
    wid = lax.axis_index("s") * NC + lax.axis_index("c")
    rowbase_dma = wid * DMA_ROWS

    lane = lax.iota(jnp.int32, 16)
    for j in range(ILIST_PAD // 16):
        ilist_v[pl.ds(j * 16, 16)] = jnp.minimum(
            rowbase_dma + j * 16 + lane, B * WPR // DROW - 1)

    cps = []
    off = 0
    for n in SPLITS:
        cps.append(pltpu.async_copy(
            inputs_hbm.at[ilist_v.at[pl.ds(off, n)]],
            slab_v.at[pl.ds(off, n)], sem))
        off += n
    pltpu.sync_copy(table_hbm, tab_v)
    pltpu.sync_copy(w_hbm, w_v)
    pltpu.sync_copy(b_hbm, b_v)

    vrow = jnp.minimum(lane, 9)
    t0 = plsc.load_gather(tab_v, [vrow * 3])
    t1 = plsc.load_gather(tab_v, [vrow * 3 + 1])
    t2 = plsc.load_gather(tab_v, [vrow * 3 + 2])
    wv = w_v[...]
    lut = (t0 * wv[0] + t1 * wv[1] + t2 * wv[2]) * jnp.float32(1.0 / L)
    for v in range(10):
        lut_v[pl.ds(v * 16, 16)] = jnp.full((16,), lut[v], jnp.float32)

    bias = jnp.full((16,), b_v[...][0], jnp.float32)
    offs = [(lane + d) & 15 for d in range(16)]

    def addword(word, acc_w):
        a0 = (word << 4) & 0xF0
        a1 = (word >> 0) & 0xF0
        a2 = (word >> 4) & 0xF0
        a3 = (word >> 8) & 0xF0
        acc_w = acc_w + plsc.load_gather(lut_v, [a0 + lane])
        acc_w = acc_w + plsc.load_gather(lut_v, [a1 + lane])
        acc_w = acc_w + plsc.load_gather(lut_v, [a2 + lane])
        acc_w = acc_w + plsc.load_gather(lut_v, [a3 + lane])
        return acc_w

    def group(g, carry):
        rowbase = (g * 16 + lane) * WPR
        acc = bias

        def window(w, acc_w):
            rb_w = rowbase + w * 16
            for d in range(16):
                a = rb_w + offs[d]
                word = plsc.load_gather(slab_v, [a >> 7, a & 127])
                acc_w = addword(word, acc_w)
            return acc_w

        acc = lax.fori_loop(0, WPR // 16, window, acc)
        rb_t = rowbase + (WPR // 16) * 16
        for d in range(WPR % 16):
            a = rb_t + (offs[d] & (WPR % 16 - 1))
            word = plsc.load_gather(slab_v, [a >> 7, a & 127])
            acc = addword(word, acc)
        out_v[pl.ds(g * 16, 16)] = acc
        return carry

    for cp in cps:
        cp.wait()
    lax.fori_loop(0, GROUPS, group, 0)

    pltpu.sync_copy(out_v, out_hbm.at[pl.ds(wid * ROWS_PER_TILE,
                                            ROWS_PER_TILE)])


@jax.jit
def _run(packed2d, table_flat, w_pad, b_pad):
    mesh = plsc.VectorSubcoreMesh(core_axis_name="c", subcore_axis_name="s")
    fn = pl.kernel(
        _body,
        out_type=jax.ShapeDtypeStruct((B,), jnp.float32),
        mesh=mesh,
        scratch_types=[
            pltpu.VMEM((DMA_ROWS, DROW), jnp.int32),
            pltpu.VMEM((ROWS_PER_TILE,), jnp.float32),
            pltpu.VMEM((30,), jnp.float32),
            pltpu.VMEM((16,), jnp.float32),
            pltpu.VMEM((16,), jnp.float32),
            pltpu.VMEM((160,), jnp.float32),
            pltpu.VMEM((ILIST_PAD,), jnp.int32),
            pltpu.SemaphoreType.DMA,
        ],
        compiler_params=pltpu.CompilerParams(needs_layout_passes=False),
    )
    return fn(packed2d, table_flat, w_pad, b_pad)


def kernel(inputs, table, W, b):
    packed = jnp.dot(inputs.astype(jnp.float32), jnp.asarray(_PACK),
                     preferred_element_type=jnp.float32)
    packed2d = packed.astype(jnp.int32).reshape(B * WPR // DROW, DROW)
    w_pad = jnp.zeros((16,), jnp.float32).at[:3].set(W.reshape(-1))
    b_pad = jnp.zeros((16,), jnp.float32).at[:1].set(b)
    out = _run(packed2d, table.reshape(-1), w_pad, b_pad)
    return out.reshape(B, 1)

# --- scband reference (transcript-rebuilt; emitter-appended) ---
"""Pipeline reference for scband-my-model-87522843558758 (READ-ONLY COPY).

The authoritative reference and input builder live on the scoring server;
editing this copy changes nothing except your own understanding.
"""

import jax, jax.numpy as jnp
import numpy as np


def setup_inputs(seed: int = 0) -> dict:
    key = jax.random.key(seed)
    k1, k2, k3, k4 = jax.random.split(key, 4)
    inputs = jax.random.randint(k1, (16384, 200), 0, 10)
    table = jax.random.normal(k2, (10, 3), dtype=jnp.float32) * 0.05
    W = jax.random.normal(k3, (3, 1), dtype=jnp.float32) * 0.05
    b = jnp.zeros((1,), dtype=jnp.float32)
    return {"inputs": inputs, "table": table, "W": W, "b": b}


def reference(inputs, table, W, b):
    # Embedding lookup: [B, L] -> [B, L, 3]
    x = jnp.take(table, inputs, axis=0)
    # EmbeddingMean: mean over sequence axis -> [B, 3]
    x = jnp.mean(x, axis=1)
    # Dense(1): [B, 3] @ [3, 1] + [1] -> [B, 1]
    out = x @ W + b
    return out

if __name__ == "__main__":
    import jax
    _d = setup_inputs()
    print(jax.jit(kernel)(*tuple(_d.values())))

</pallas_src>

<mosaic_0001>
#map = affine_map<(d0, d1) -> (0, 0)>
#map1 = affine_map<(d0, d1) -> (0)>
module attributes {stable_mosaic.version = 14 : i64} {
  func.func @_body(%arg0: i32, %arg1: i32, %arg2: memref<6400x128xi32, #tpu.memory_space<hbm>>, %arg3: memref<30xf32, #tpu.memory_space<hbm>>, %arg4: memref<16xf32, #tpu.memory_space<hbm>>, %arg5: memref<16xf32, #tpu.memory_space<hbm>>, %arg6: memref<16384xf32, #tpu.memory_space<hbm>>, %arg7: memref<200x128xi32, #tpu.memory_space<vmem>>, %arg8: memref<512xf32, #tpu.memory_space<vmem>>, %arg9: memref<30xf32, #tpu.memory_space<vmem>>, %arg10: memref<16xf32, #tpu.memory_space<vmem>>, %arg11: memref<16xf32, #tpu.memory_space<vmem>>, %arg12: memref<160xf32, #tpu.memory_space<vmem>>, %arg13: memref<208xi32, #tpu.memory_space<vmem>>, %arg14: memref<!tpu.dma_semaphore, #tpu.memory_space<semaphore_mem>>) attributes {dimension_semantics = [#tpu.dimension_semantics<core_parallel>, #tpu.dimension_semantics<subcore_parallel>], iteration_bounds = array<i64: 2, 16>, scalar_prefetch = 0 : i64, scratch_operands = 8 : i64, tpu.core_type = #tpu.core_type<sc_vector_subcore>, window_params = [{transform_indices = #map}, {transform_indices = #map1}, {transform_indices = #map1}, {transform_indices = #map1}, {transform_indices = #map1}]} {
    %mul3A = arith.constant 2 : i32
    %mul3A_0 = arith.muli %arg1, %mul3A : i32
    %add3A = arith.addi %mul3A_0, %arg0 : i32
    %mul3A_1 = arith.constant 200 : i32
    %mul3A_2 = arith.muli %add3A, %mul3A_1 : i32
    %iota3A = tpu.iota {dimensions = array<i32: 0>} : vector<16xi32>
    %add3A_3 = arith.constant 0 : i32
    %add3A_4 = arith.addi %mul3A_2, %add3A_3 : i32
    %add3A_5 = vector.broadcast %add3A_4 : i32 to vector<16xi32>
    %add3A_6 = arith.addi %add3A_5, %iota3A : vector<16xi32>
    %min3A = arith.constant 6399 : i32
    %min3A_7 = vector.broadcast %min3A : i32 to vector<16xi32>
    %min3A_8 = arith.minsi %add3A_6, %min3A_7 : vector<16xi32>
    %swap3A = arith.constant 0 : index
    %swap3A_9 = tpu.vector_load %arg13[%swap3A] {strides = array<i32>} : memref<208xi32, #tpu.memory_space<vmem>>, vector<16xi32>,
    tpu.vector_store %arg13[%swap3A], %min3A_8 {strides = array<i32>} : memref<208xi32, #tpu.memory_space<vmem>>, vector<16xi32>,
    %add3A_10 = arith.constant 16 : i32
    %add3A_11 = arith.addi %mul3A_2, %add3A_10 : i32
    %add3A_12 = vector.broadcast %add3A_11 : i32 to vector<16xi32>
    %add3A_13 = arith.addi %add3A_12, %iota3A : vector<16xi32>
    %min3A_14 = arith.constant 6399 : i32
    %min3A_15 = vector.broadcast %min3A_14 : i32 to vector<16xi32>
    %min3A_16 = arith.minsi %add3A_13, %min3A_15 : vector<16xi32>
    %swap3A_17 = arith.constant 16 : index
    %swap3A_18 = tpu.vector_load %arg13[%swap3A_17] {strides = array<i32>} : memref<208xi32, #tpu.memory_space<vmem>>, vector<16xi32>,
    tpu.vector_store %arg13[%swap3A_17], %min3A_16 {strides = array<i32>} : memref<208xi32, #tpu.memory_space<vmem>>, vector<16xi32>,
    %add3A_19 = arith.constant 32 : i32
    %add3A_20 = arith.addi %mul3A_2, %add3A_19 : i32
    %add3A_21 = vector.broadcast %add3A_20 : i32 to vector<16xi32>
    %add3A_22 = arith.addi %add3A_21, %iota3A : vector<16xi32>
    %min3A_23 = arith.constant 6399 : i32
    %min3A_24 = vector.broadcast %min3A_23 : i32 to vector<16xi32>
    %min3A_25 = arith.minsi %add3A_22, %min3A_24 : vector<16xi32>
    %swap3A_26 = arith.constant 32 : index
    %swap3A_27 = tpu.vector_load %arg13[%swap3A_26] {strides = array<i32>} : memref<208xi32, #tpu.memory_space<vmem>>, vector<16xi32>,
    tpu.vector_store %arg13[%swap3A_26], %min3A_25 {strides = array<i32>} : memref<208xi32, #tpu.memory_space<vmem>>, vector<16xi32>,
    %add3A_28 = arith.constant 48 : i32
    %add3A_29 = arith.addi %mul3A_2, %add3A_28 : i32
    %add3A_30 = vector.broadcast %add3A_29 : i32 to vector<16xi32>
    %add3A_31 = arith.addi %add3A_30, %iota3A : vector<16xi32>
    %min3A_32 = arith.constant 6399 : i32
    %min3A_33 = vector.broadcast %min3A_32 : i32 to vector<16xi32>
    %min3A_34 = arith.minsi %add3A_31, %min3A_33 : vector<16xi32>
    %swap3A_35 = arith.constant 48 : index
    %swap3A_36 = tpu.vector_load %arg13[%swap3A_35] {strides = array<i32>} : memref<208xi32, #tpu.memory_space<vmem>>, vector<16xi32>,
    tpu.vector_store %arg13[%swap3A_35], %min3A_34 {strides = array<i32>} : memref<208xi32, #tpu.memory_space<vmem>>, vector<16xi32>,
    %add3A_37 = arith.constant 64 : i32
    %add3A_38 = arith.addi %mul3A_2, %add3A_37 : i32
    %add3A_39 = vector.broadcast %add3A_38 : i32 to vector<16xi32>
    %add3A_40 = arith.addi %add3A_39, %iota3A : vector<16xi32>
    %min3A_41 = arith.constant 6399 : i32
    %min3A_42 = vector.broadcast %min3A_41 : i32 to vector<16xi32>
    %min3A_43 = arith.minsi %add3A_40, %min3A_42 : vector<16xi32>
    %swap3A_44 = arith.constant 64 : index
    %swap3A_45 = tpu.vector_load %arg13[%swap3A_44] {strides = array<i32>} : memref<208xi32, #tpu.memory_space<vmem>>, vector<16xi32>,
    tpu.vector_store %arg13[%swap3A_44], %min3A_43 {strides = array<i32>} : memref<208xi32, #tpu.memory_space<vmem>>, vector<16xi32>,
    %add3A_46 = arith.constant 80 : i32
    %add3A_47 = arith.addi %mul3A_2, %add3A_46 : i32
    %add3A_48 = vector.broadcast %add3A_47 : i32 to vector<16xi32>
    %add3A_49 = arith.addi %add3A_48, %iota3A : vector<16xi32>
    %min3A_50 = arith.constant 6399 : i32
    %min3A_51 = vector.broadcast %min3A_50 : i32 to vector<16xi32>
    %min3A_52 = arith.minsi %add3A_49, %min3A_51 : vector<16xi32>
    %swap3A_53 = arith.constant 80 : index
    %swap3A_54 = tpu.vector_load %arg13[%swap3A_53] {strides = array<i32>} : memref<208xi32, #tpu.memory_space<vmem>>, vector<16xi32>,
    tpu.vector_store %arg13[%swap3A_53], %min3A_52 {strides = array<i32>} : memref<208xi32, #tpu.memory_space<vmem>>, vector<16xi32>,
    %add3A_55 = arith.constant 96 : i32
    %add3A_56 = arith.addi %mul3A_2, %add3A_55 : i32
    %add3A_57 = vector.broadcast %add3A_56 : i32 to vector<16xi32>
    %add3A_58 = arith.addi %add3A_57, %iota3A : vector<16xi32>
    %min3A_59 = arith.constant 6399 : i32
    %min3A_60 = vector.broadcast %min3A_59 : i32 to vector<16xi32>
    %min3A_61 = arith.minsi %add3A_58, %min3A_60 : vector<16xi32>
    %swap3A_62 = arith.constant 96 : index
    %swap3A_63 = tpu.vector_load %arg13[%swap3A_62] {strides = array<i32>} : memref<208xi32, #tpu.memory_space<vmem>>, vector<16xi32>,
    tpu.vector_store %arg13[%swap3A_62], %min3A_61 {strides = array<i32>} : memref<208xi32, #tpu.memory_space<vmem>>, vector<16xi32>,
    %add3A_64 = arith.constant 112 : i32
    %add3A_65 = arith.addi %mul3A_2, %add3A_64 : i32
    %add3A_66 = vector.broadcast %add3A_65 : i32 to vector<16xi32>
    %add3A_67 = arith.addi %add3A_66, %iota3A : vector<16xi32>
    %min3A_68 = arith.constant 6399 : i32
    %min3A_69 = vector.broadcast %min3A_68 : i32 to vector<16xi32>
    %min3A_70 = arith.minsi %add3A_67, %min3A_69 : vector<16xi32>
    %swap3A_71 = arith.constant 112 : index
    %swap3A_72 = tpu.vector_load %arg13[%swap3A_71] {strides = array<i32>} : memref<208xi32, #tpu.memory_space<vmem>>, vector<16xi32>,
    tpu.vector_store %arg13[%swap3A_71], %min3A_70 {strides = array<i32>} : memref<208xi32, #tpu.memory_space<vmem>>, vector<16xi32>,
    %add3A_73 = arith.constant 128 : i32
    %add3A_74 = arith.addi %mul3A_2, %add3A_73 : i32
    %add3A_75 = vector.broadcast %add3A_74 : i32 to vector<16xi32>
    %add3A_76 = arith.addi %add3A_75, %iota3A : vector<16xi32>
    %min3A_77 = arith.constant 6399 : i32
    %min3A_78 = vector.broadcast %min3A_77 : i32 to vector<16xi32>
    %min3A_79 = arith.minsi %add3A_76, %min3A_78 : vector<16xi32>
    %swap3A_80 = arith.constant 128 : index
    %swap3A_81 = tpu.vector_load %arg13[%swap3A_80] {strides = array<i32>} : memref<208xi32, #tpu.memory_space<vmem>>, vector<16xi32>,
    tpu.vector_store %arg13[%swap3A_80], %min3A_79 {strides = array<i32>} : memref<208xi32, #tpu.memory_space<vmem>>, vector<16xi32>,
    %add3A_82 = arith.constant 144 : i32
    %add3A_83 = arith.addi %mul3A_2, %add3A_82 : i32
    %add3A_84 = vector.broadcast %add3A_83 : i32 to vector<16xi32>
    %add3A_85 = arith.addi %add3A_84, %iota3A : vector<16xi32>
    %min3A_86 = arith.constant 6399 : i32
    %min3A_87 = vector.broadcast %min3A_86 : i32 to vector<16xi32>
    %min3A_88 = arith.minsi %add3A_85, %min3A_87 : vector<16xi32>
    %swap3A_89 = arith.constant 144 : index
    %swap3A_90 = tpu.vector_load %arg13[%swap3A_89] {strides = array<i32>} : memref<208xi32, #tpu.memory_space<vmem>>, vector<16xi32>,
    tpu.vector_store %arg13[%swap3A_89], %min3A_88 {strides = array<i32>} : memref<208xi32, #tpu.memory_space<vmem>>, vector<16xi32>,
    %add3A_91 = arith.constant 160 : i32
    %add3A_92 = arith.addi %mul3A_2, %add3A_91 : i32
    %add3A_93 = vector.broadcast %add3A_92 : i32 to vector<16xi32>
    %add3A_94 = arith.addi %add3A_93, %iota3A : vector<16xi32>
    %min3A_95 = arith.constant 6399 : i32
    %min3A_96 = vector.broadcast %min3A_95 : i32 to vector<16xi32>
    %min3A_97 = arith.minsi %add3A_94, %min3A_96 : vector<16xi32>
    %swap3A_98 = arith.constant 160 : index
    %swap3A_99 = tpu.vector_load %arg13[%swap3A_98] {strides = array<i32>} : memref<208xi32, #tpu.memory_space<vmem>>, vector<16xi32>,
    tpu.vector_store %arg13[%swap3A_98], %min3A_97 {strides = array<i32>} : memref<208xi32, #tpu.memory_space<vmem>>, vector<16xi32>,
    %add3A_100 = arith.constant 176 : i32
    %add3A_101 = arith.addi %mul3A_2, %add3A_100 : i32
    %add3A_102 = vector.broadcast %add3A_101 : i32 to vector<16xi32>
    %add3A_103 = arith.addi %add3A_102, %iota3A : vector<16xi32>
    %min3A_104 = arith.constant 6399 : i32
    %min3A_105 = vector.broadcast %min3A_104 : i32 to vector<16xi32>
    %min3A_106 = arith.minsi %add3A_103, %min3A_105 : vector<16xi32>
    %swap3A_107 = arith.constant 176 : index
    %swap3A_108 = tpu.vector_load %arg13[%swap3A_107] {strides = array<i32>} : memref<208xi32, #tpu.memory_space<vmem>>, vector<16xi32>,
    tpu.vector_store %arg13[%swap3A_107], %min3A_106 {strides = array<i32>} : memref<208xi32, #tpu.memory_space<vmem>>, vector<16xi32>,
    %add3A_109 = arith.constant 192 : i32
    %add3A_110 = arith.addi %mul3A_2, %add3A_109 : i32
    %add3A_111 = vector.broadcast %add3A_110 : i32 to vector<16xi32>
    %add3A_112 = arith.addi %add3A_111, %iota3A : vector<16xi32>
    %min3A_113 = arith.constant 6399 : i32
    %min3A_114 = vector.broadcast %min3A_113 : i32 to vector<16xi32>
    %min3A_115 = arith.minsi %add3A_112, %min3A_114 : vector<16xi32>
    %swap3A_116 = arith.constant 192 : index
    %swap3A_117 = tpu.vector_load %arg13[%swap3A_116] {strides = array<i32>} : memref<208xi32, #tpu.memory_space<vmem>>, vector<16xi32>,
    tpu.vector_store %arg13[%swap3A_116], %min3A_115 {strides = array<i32>} : memref<208xi32, #tpu.memory_space<vmem>>, vector<16xi32>,
    %dma_start3A = arith.constant 0 : i32
    %dma_start3A_118 = arith.constant 0 : i32
    %dma_start3A_119 = tpu.memref_slice %arg7[%dma_start3A, %dma_start3A_118] : memref<200x128xi32, #tpu.memory_space<vmem>> -> memref<104x128xi32, #tpu.memory_space<vmem>>
    %dma_start3A_120 = arith.constant 0 : i32
    %dma_start3A_121 = tpu.memref_slice %arg13[%dma_start3A_120] : memref<208xi32, #tpu.memory_space<vmem>> -> memref<104xi32, #tpu.memory_space<vmem>>
    %dma_start3A_122 = arith.constant 0 : i32
    %dma_start3A_123 = arith.constant 0 : i32
    %dma_start3A_124 = tpu.memref_slice %arg2[%dma_start3A_122, %dma_start3A_123] : memref<6400x128xi32, #tpu.memory_space<hbm>> -> memref<6400x128xi32, #tpu.memory_space<hbm>>
    tpu.enqueue_indirect_dma source(%dma_start3A_124 : memref<6400x128xi32, #tpu.memory_space<hbm>>) target(%dma_start3A_119 : memref<104x128xi32, #tpu.memory_space<vmem>>) offsets(%dma_start3A_121 : memref<104xi32, #tpu.memory_space<vmem>>) semaphore(%arg14 : memref<!tpu.dma_semaphore, #tpu.memory_space<semaphore_mem>>)
    %dma_start3A_125 = arith.constant 104 : i32
    %dma_start3A_126 = arith.constant 0 : i32
    %dma_start3A_127 = tpu.memref_slice %arg7[%dma_start3A_125, %dma_start3A_126] : memref<200x128xi32, #tpu.memory_space<vmem>> -> memref<96x128xi32, #tpu.memory_space<vmem>>
    %dma_start3A_128 = arith.constant 104 : i32
    %dma_start3A_129 = tpu.memref_slice %arg13[%dma_start3A_128] : memref<208xi32, #tpu.memory_space<vmem>> -> memref<96xi32, #tpu.memory_space<vmem>>
    %dma_start3A_130 = arith.constant 0 : i32
    %dma_start3A_131 = arith.constant 0 : i32
    %dma_start3A_132 = tpu.memref_slice %arg2[%dma_start3A_130, %dma_start3A_131] : memref<6400x128xi32, #tpu.memory_space<hbm>> -> memref<6400x128xi32, #tpu.memory_space<hbm>>
    tpu.enqueue_indirect_dma source(%dma_start3A_132 : memref<6400x128xi32, #tpu.memory_space<hbm>>) target(%dma_start3A_127 : memref<96x128xi32, #tpu.memory_space<vmem>>) offsets(%dma_start3A_129 : memref<96xi32, #tpu.memory_space<vmem>>) semaphore(%arg14 : memref<!tpu.dma_semaphore, #tpu.memory_space<semaphore_mem>>)
    "tpu.region"() ({
      %run_scoped3A = tpu.sem_alloc : memref<!tpu.dma_semaphore, #tpu.memory_space<semaphore_mem>>
      tpu.enqueue_dma source(%arg3 : memref<30xf32, #tpu.memory_space<hbm>>) target(%arg9 : memref<30xf32, #tpu.memory_space<vmem>>) target_semaphore(%run_scoped3A : memref<!tpu.dma_semaphore, #tpu.memory_space<semaphore_mem>>)
      tpu.wait_dma2 semaphore(%run_scoped3A : memref<!tpu.dma_semaphore, #tpu.memory_space<semaphore_mem>>) src(%arg3 : memref<30xf32, #tpu.memory_space<hbm>>) dst(%arg9 : memref<30xf32, #tpu.memory_space<vmem>>)
      tpu.yield
    }) : () -> ()
    "tpu.region"() ({
      %run_scoped3A = tpu.sem_alloc : memref<!tpu.dma_semaphore, #tpu.memory_space<semaphore_mem>>
      tpu.enqueue_dma source(%arg4 : memref<16xf32, #tpu.memory_space<hbm>>) target(%arg10 : memref<16xf32, #tpu.memory_space<vmem>>) target_semaphore(%run_scoped3A : memref<!tpu.dma_semaphore, #tpu.memory_space<semaphore_mem>>)
      tpu.wait_dma2 semaphore(%run_scoped3A : memref<!tpu.dma_semaphore, #tpu.memory_space<semaphore_mem>>) src(%arg4 : memref<16xf32, #tpu.memory_space<hbm>>) dst(%arg10 : memref<16xf32, #tpu.memory_space<vmem>>)
      tpu.yield
    }) : () -> ()
    "tpu.region"() ({
      %run_scoped3A = tpu.sem_alloc : memref<!tpu.dma_semaphore, #tpu.memory_space<semaphore_mem>>
      tpu.enqueue_dma source(%arg5 : memref<16xf32, #tpu.memory_space<hbm>>) target(%arg11 : memref<16xf32, #tpu.memory_space<vmem>>) target_semaphore(%run_scoped3A : memref<!tpu.dma_semaphore, #tpu.memory_space<semaphore_mem>>)
      tpu.wait_dma2 semaphore(%run_scoped3A : memref<!tpu.dma_semaphore, #tpu.memory_space<semaphore_mem>>) src(%arg5 : memref<16xf32, #tpu.memory_space<hbm>>) dst(%arg11 : memref<16xf32, #tpu.memory_space<vmem>>)
      tpu.yield
    }) : () -> ()
    %min3A_133 = arith.constant 9 : i32
    %min3A_134 = vector.broadcast %min3A_133 : i32 to vector<16xi32>
    %min3A_135 = arith.minsi %iota3A, %min3A_134 : vector<16xi32>
    %mul3A_136 = arith.constant 3 : i32
    %mul3A_137 = vector.broadcast %mul3A_136 : i32 to vector<16xi32>
    %mul3A_138 = arith.muli %min3A_135, %mul3A_137 : vector<16xi32>
    %gather3A = tpu.vector_load_idx %arg9[%mul3A_138] : memref<30xf32, #tpu.memory_space<vmem>>[vector<16xi32>], vector<16xf32>,
    %mul3A_139 = arith.constant 3 : i32
    %mul3A_140 = vector.broadcast %mul3A_139 : i32 to vector<16xi32>
    %mul3A_141 = arith.muli %min3A_135, %mul3A_140 : vector<16xi32>
    %add3A_142 = arith.constant 1 : i32
    %add3A_143 = vector.broadcast %add3A_142 : i32 to vector<16xi32>
    %add3A_144 = arith.addi %mul3A_141, %add3A_143 : vector<16xi32>
    %gather3A_145 = tpu.vector_load_idx %arg9[%add3A_144] : memref<30xf32, #tpu.memory_space<vmem>>[vector<16xi32>], vector<16xf32>,
    %mul3A_146 = arith.constant 3 : i32
    %mul3A_147 = vector.broadcast %mul3A_146 : i32 to vector<16xi32>
    %mul3A_148 = arith.muli %min3A_135, %mul3A_147 : vector<16xi32>
    %add3A_149 = arith.constant 2 : i32
    %add3A_150 = vector.broadcast %add3A_149 : i32 to vector<16xi32>
    %add3A_151 = arith.addi %mul3A_148, %add3A_150 : vector<16xi32>
    %gather3A_152 = tpu.vector_load_idx %arg9[%add3A_151] : memref<30xf32, #tpu.memory_space<vmem>>[vector<16xi32>], vector<16xf32>,
    %get3A = arith.constant 0 : index
    %get3A_153 = tpu.vector_load %arg10[%get3A] {strides = array<i32>} : memref<16xf32, #tpu.memory_space<vmem>>, vector<16xf32>,
    %slice3A = vector.extract_strided_slice %get3A_153 {offsets = [0], sizes = [1], strides = [1]} : vector<16xf32> to vector<1xf32>
    %squeeze3A = vector.extract %slice3A[0] : f32 from vector<1xf32>
    %mul3A_154 = vector.broadcast %squeeze3A : f32 to vector<16xf32>
    %mul3A_155 = arith.mulf %gather3A, %mul3A_154 : vector<16xf32>
    %slice3A_156 = vector.extract_strided_slice %get3A_153 {offsets = [1], sizes = [1], strides = [1]} : vector<16xf32> to vector<1xf32>
    %squeeze3A_157 = vector.extract %slice3A_156[0] : f32 from vector<1xf32>
    %mul3A_158 = vector.broadcast %squeeze3A_157 : f32 to vector<16xf32>
    %mul3A_159 = arith.mulf %gather3A_145, %mul3A_158 : vector<16xf32>
    %add3A_160 = arith.addf %mul3A_155, %mul3A_159 : vector<16xf32>
    %slice3A_161 = vector.extract_strided_slice %get3A_153 {offsets = [2], sizes = [1], strides = [1]} : vector<16xf32> to vector<1xf32>
    %squeeze3A_162 = vector.extract %slice3A_161[0] : f32 from vector<1xf32>
    %mul3A_163 = vector.broadcast %squeeze3A_162 : f32 to vector<16xf32>
    %mul3A_164 = arith.mulf %gather3A_152, %mul3A_163 : vector<16xf32>
    %add3A_165 = arith.addf %add3A_160, %mul3A_164 : vector<16xf32>
    %mul3A_166 = arith.constant 5.000000e-03 : f32
    %mul3A_167 = vector.broadcast %mul3A_166 : f32 to vector<16xf32>
    %mul3A_168 = arith.mulf %add3A_165, %mul3A_167 : vector<16xf32>
    %slice3A_169 = vector.extract_strided_slice %mul3A_168 {offsets = [0], sizes = [1], strides = [1]} : vector<16xf32> to vector<1xf32>
    %squeeze3A_170 = vector.extract %slice3A_169[0] : f32 from vector<1xf32>
    %broadcast_in_dim3A = vector.broadcast %squeeze3A_170 : f32 to vector<16xf32>
    %swap3A_171 = arith.constant 0 : index
    %swap3A_172 = tpu.vector_load %arg12[%swap3A_171] {strides = array<i32>} : memref<160xf32, #tpu.memory_space<vmem>>, vector<16xf32>,
    tpu.vector_store %arg12[%swap3A_171], %broadcast_in_dim3A {strides = array<i32>} : memref<160xf32, #tpu.memory_space<vmem>>, vector<16xf32>,
    %slice3A_173 = vector.extract_strided_slice %mul3A_168 {offsets = [1], sizes = [1], strides = [1]} : vector<16xf32> to vector<1xf32>
    %squeeze3A_174 = vector.extract %slice3A_173[0] : f32 from vector<1xf32>
    %broadcast_in_dim3A_175 = vector.broadcast %squeeze3A_174 : f32 to vector<16xf32>
    %swap3A_176 = arith.constant 16 : index
    %swap3A_177 = tpu.vector_load %arg12[%swap3A_176] {strides = array<i32>} : memref<160xf32, #tpu.memory_space<vmem>>, vector<16xf32>,
    tpu.vector_store %arg12[%swap3A_176], %broadcast_in_dim3A_175 {strides = array<i32>} : memref<160xf32, #tpu.memory_space<vmem>>, vector<16xf32>,
    %slice3A_178 = vector.extract_strided_slice %mul3A_168 {offsets = [2], sizes = [1], strides = [1]} : vector<16xf32> to vector<1xf32>
    %squeeze3A_179 = vector.extract %slice3A_178[0] : f32 from vector<1xf32>
    %broadcast_in_dim3A_180 = vector.broadcast %squeeze3A_179 : f32 to vector<16xf32>
    %swap3A_181 = arith.constant 32 : index
    %swap3A_182 = tpu.vector_load %arg12[%swap3A_181] {strides = array<i32>} : memref<160xf32, #tpu.memory_space<vmem>>, vector<16xf32>,
    tpu.vector_store %arg12[%swap3A_181], %broadcast_in_dim3A_180 {strides = array<i32>} : memref<160xf32, #tpu.memory_space<vmem>>, vector<16xf32>,
    %slice3A_183 = vector.extract_strided_slice %mul3A_168 {offsets = [3], sizes = [1], strides = [1]} : vector<16xf32> to vector<1xf32>
    %squeeze3A_184 = vector.extract %slice3A_183[0] : f32 from vector<1xf32>
    %broadcast_in_dim3A_185 = vector.broadcast %squeeze3A_184 : f32 to vector<16xf32>
    %swap3A_186 = arith.constant 48 : index
    %swap3A_187 = tpu.vector_load %arg12[%swap3A_186] {strides = array<i32>} : memref<160xf32, #tpu.memory_space<vmem>>, vector<16xf32>,
    tpu.vector_store %arg12[%swap3A_186], %broadcast_in_dim3A_185 {strides = array<i32>} : memref<160xf32, #tpu.memory_space<vmem>>, vector<16xf32>,
    %slice3A_188 = vector.extract_strided_slice %mul3A_168 {offsets = [4], sizes = [1], strides = [1]} : vector<16xf32> to vector<1xf32>
    %squeeze3A_189 = vector.extract %slice3A_188[0] : f32 from vector<1xf32>
    %broadcast_in_dim3A_190 = vector.broadcast %squeeze3A_189 : f32 to vector<16xf32>
    %swap3A_191 = arith.constant 64 : index
    %swap3A_192 = tpu.vector_load %arg12[%swap3A_191] {strides = array<i32>} : memref<160xf32, #tpu.memory_space<vmem>>, vector<16xf32>,
    tpu.vector_store %arg12[%swap3A_191], %broadcast_in_dim3A_190 {strides = array<i32>} : memref<160xf32, #tpu.memory_space<vmem>>, vector<16xf32>,
    %slice3A_193 = vector.extract_strided_slice %mul3A_168 {offsets = [5], sizes = [1], strides = [1]} : vector<16xf32> to vector<1xf32>
    %squeeze3A_194 = vector.extract %slice3A_193[0] : f32 from vector<1xf32>
    %broadcast_in_dim3A_195 = vector.broadcast %squeeze3A_194 : f32 to vector<16xf32>
    %swap3A_196 = arith.constant 80 : index
    %swap3A_197 = tpu.vector_load %arg12[%swap3A_196] {strides = array<i32>} : memref<160xf32, #tpu.memory_space<vmem>>, vector<16xf32>,
    tpu.vector_store %arg12[%swap3A_196], %broadcast_in_dim3A_195 {strides = array<i32>} : memref<160xf32, #tpu.memory_space<vmem>>, vector<16xf32>,
    %slice3A_198 = vector.extract_strided_slice %mul3A_168 {offsets = [6], sizes = [1], strides = [1]} : vector<16xf32> to vector<1xf32>
    %squeeze3A_199 = vector.extract %slice3A_198[0] : f32 from vector<1xf32>
    %broadcast_in_dim3A_200 = vector.broadcast %squeeze3A_199 : f32 to vector<16xf32>
    %swap3A_201 = arith.constant 96 : index
    %swap3A_202 = tpu.vector_load %arg12[%swap3A_201] {strides = array<i32>} : memref<160xf32, #tpu.memory_space<vmem>>, vector<16xf32>,
    tpu.vector_store %arg12[%swap3A_201], %broadcast_in_dim3A_200 {strides = array<i32>} : memref<160xf32, #tpu.memory_space<vmem>>, vector<16xf32>,
    %slice3A_203 = vector.extract_strided_slice %mul3A_168 {offsets = [7], sizes = [1], strides = [1]} : vector<16xf32> to vector<1xf32>
    %squeeze3A_204 = vector.extract %slice3A_203[0] : f32 from vector<1xf32>
    %broadcast_in_dim3A_205 = vector.broadcast %squeeze3A_204 : f32 to vector<16xf32>
    %swap3A_206 = arith.constant 112 : index
    %swap3A_207 = tpu.vector_load %arg12[%swap3A_206] {strides = array<i32>} : memref<160xf32, #tpu.memory_space<vmem>>, vector<16xf32>,
    tpu.vector_store %arg12[%swap3A_206], %broadcast_in_dim3A_205 {strides = array<i32>} : memref<160xf32, #tpu.memory_space<vmem>>, vector<16xf32>,
    %slice3A_208 = vector.extract_strided_slice %mul3A_168 {offsets = [8], sizes = [1], strides = [1]} : vector<16xf32> to vector<1xf32>
    %squeeze3A_209 = vector.extract %slice3A_208[0] : f32 from vector<1xf32>
    %broadcast_in_dim3A_210 = vector.broadcast %squeeze3A_209 : f32 to vector<16xf32>
    %swap3A_211 = arith.constant 128 : index
    %swap3A_212 = tpu.vector_load %arg12[%swap3A_211] {strides = array<i32>} : memref<160xf32, #tpu.memory_space<vmem>>, vector<16xf32>,
    tpu.vector_store %arg12[%swap3A_211], %broadcast_in_dim3A_210 {strides = array<i32>} : memref<160xf32, #tpu.memory_space<vmem>>, vector<16xf32>,
    %slice3A_213 = vector.extract_strided_slice %mul3A_168 {offsets = [9], sizes = [1], strides = [1]} : vector<16xf32> to vector<1xf32>
    %squeeze3A_214 = vector.extract %slice3A_213[0] : f32 from vector<1xf32>
    %broadcast_in_dim3A_215 = vector.broadcast %squeeze3A_214 : f32 to vector<16xf32>
    %swap3A_216 = arith.constant 144 : index
    %swap3A_217 = tpu.vector_load %arg12[%swap3A_216] {strides = array<i32>} : memref<160xf32, #tpu.memory_space<vmem>>, vector<16xf32>,
    tpu.vector_store %arg12[%swap3A_216], %broadcast_in_dim3A_215 {strides = array<i32>} : memref<160xf32, #tpu.memory_space<vmem>>, vector<16xf32>,
    %get3A_218 = arith.constant 0 : index
    %get3A_219 = tpu.vector_load %arg11[%get3A_218] {strides = array<i32>} : memref<16xf32, #tpu.memory_space<vmem>>, vector<16xf32>,
    %slice3A_220 = vector.extract_strided_slice %get3A_219 {offsets = [0], sizes = [1], strides = [1]} : vector<16xf32> to vector<1xf32>
    %squeeze3A_221 = vector.extract %slice3A_220[0] : f32 from vector<1xf32>
    %broadcast_in_dim3A_222 = vector.broadcast %squeeze3A_221 : f32 to vector<16xf32>
    %add3A_223 = arith.constant 0 : i32
    %add3A_224 = vector.broadcast %add3A_223 : i32 to vector<16xi32>
    %add3A_225 = arith.addi %iota3A, %add3A_224 : vector<16xi32>
    %and3A = arith.constant 15 : i32
    %and3A_226 = vector.broadcast %and3A : i32 to vector<16xi32>
    %and3A_227 = arith.andi %add3A_225, %and3A_226 : vector<16xi32>
    %add3A_228 = arith.constant 1 : i32
    %add3A_229 = vector.broadcast %add3A_228 : i32 to vector<16xi32>
    %add3A_230 = arith.addi %iota3A, %add3A_229 : vector<16xi32>
    %and3A_231 = arith.constant 15 : i32
    %and3A_232 = vector.broadcast %and3A_231 : i32 to vector<16xi32>
    %and3A_233 = arith.andi %add3A_230, %and3A_232 : vector<16xi32>
    %add3A_234 = arith.constant 2 : i32
    %add3A_235 = vector.broadcast %add3A_234 : i32 to vector<16xi32>
    %add3A_236 = arith.addi %iota3A, %add3A_235 : vector<16xi32>
    %and3A_237 = arith.constant 15 : i32
    %and3A_238 = vector.broadcast %and3A_237 : i32 to vector<16xi32>
    %and3A_239 = arith.andi %add3A_236, %and3A_238 : vector<16xi32>
    %add3A_240 = arith.constant 3 : i32
    %add3A_241 = vector.broadcast %add3A_240 : i32 to vector<16xi32>
    %add3A_242 = arith.addi %iota3A, %add3A_241 : vector<16xi32>
    %and3A_243 = arith.constant 15 : i32
    %and3A_244 = vector.broadcast %and3A_243 : i32 to vector<16xi32>
    %and3A_245 = arith.andi %add3A_242, %and3A_244 : vector<16xi32>
    %add3A_246 = arith.constant 4 : i32
    %add3A_247 = vector.broadcast %add3A_246 : i32 to vector<16xi32>
    %add3A_248 = arith.addi %iota3A, %add3A_247 : vector<16xi32>
    %and3A_249 = arith.constant 15 : i32
    %and3A_250 = vector.broadcast %and3A_249 : i32 to vector<16xi32>
    %and3A_251 = arith.andi %add3A_248, %and3A_250 : vector<16xi32>
    %add3A_252 = arith.constant 5 : i32
    %add3A_253 = vector.broadcast %add3A_252 : i32 to vector<16xi32>
    %add3A_254 = arith.addi %iota3A, %add3A_253 : vector<16xi32>
    %and3A_255 = arith.constant 15 : i32
    %and3A_256 = vector.broadcast %and3A_255 : i32 to vector<16xi32>
    %and3A_257 = arith.andi %add3A_254, %and3A_256 : vector<16xi32>
    %add3A_258 = arith.constant 6 : i32
    %add3A_259 = vector.broadcast %add3A_258 : i32 to vector<16xi32>
    %add3A_260 = arith.addi %iota3A, %add3A_259 : vector<16xi32>
    %and3A_261 = arith.constant 15 : i32
    %and3A_262 = vector.broadcast %and3A_261 : i32 to vector<16xi32>
    %and3A_263 = arith.andi %add3A_260, %and3A_262 : vector<16xi32>
    %add3A_264 = arith.constant 7 : i32
    %add3A_265 = vector.broadcast %add3A_264 : i32 to vector<16xi32>
    %add3A_266 = arith.addi %iota3A, %add3A_265 : vector<16xi32>
    %and3A_267 = arith.constant 15 : i32
    %and3A_268 = vector.broadcast %and3A_267 : i32 to vector<16xi32>
    %and3A_269 = arith.andi %add3A_266, %and3A_268 : vector<16xi32>
    %add3A_270 = arith.constant 8 : i32
    %add3A_271 = vector.broadcast %add3A_270 : i32 to vector<16xi32>
    %add3A_272 = arith.addi %iota3A, %add3A_271 : vector<16xi32>
    %and3A_273 = arith.constant 15 : i32
    %and3A_274 = vector.broadcast %and3A_273 : i32 to vector<16xi32>
    %and3A_275 = arith.andi %add3A_272, %and3A_274 : vector<16xi32>
    %add3A_276 = arith.constant 9 : i32
    %add3A_277 = vector.broadcast %add3A_276 : i32 to vector<16xi32>
    %add3A_278 = arith.addi %iota3A, %add3A_277 : vector<16xi32>
    %and3A_279 = arith.constant 15 : i32
    %and3A_280 = vector.broadcast %and3A_279 : i32 to vector<16xi32>
    %and3A_281 = arith.andi %add3A_278, %and3A_280 : vector<16xi32>
    %add3A_282 = arith.constant 10 : i32
    %add3A_283 = vector.broadcast %add3A_282 : i32 to vector<16xi32>
    %add3A_284 = arith.addi %iota3A, %add3A_283 : vector<16xi32>
    %and3A_285 = arith.constant 15 : i32
    %and3A_286 = vector.broadcast %and3A_285 : i32 to vector<16xi32>
    %and3A_287 = arith.andi %add3A_284, %and3A_286 : vector<16xi32>
    %add3A_288 = arith.constant 11 : i32
    %add3A_289 = vector.broadcast %add3A_288 : i32 to vector<16xi32>
    %add3A_290 = arith.addi %iota3A, %add3A_289 : vector<16xi32>
    %and3A_291 = arith.constant 15 : i32
    %and3A_292 = vector.broadcast %and3A_291 : i32 to vector<16xi32>
    %and3A_293 = arith.andi %add3A_290, %and3A_292 : vector<16xi32>
    %add3A_294 = arith.constant 12 : i32
    %add3A_295 = vector.broadcast %add3A_294 : i32 to vector<16xi32>
    %add3A_296 = arith.addi %iota3A, %add3A_295 : vector<16xi32>
    %and3A_297 = arith.constant 15 : i32
    %and3A_298 = vector.broadcast %and3A_297 : i32 to vector<16xi32>
    %and3A_299 = arith.andi %add3A_296, %and3A_298 : vector<16xi32>
    %add3A_300 = arith.constant 13 : i32
    %add3A_301 = vector.broadcast %add3A_300 : i32 to vector<16xi32>
    %add3A_302 = arith.addi %iota3A, %add3A_301 : vector<16xi32>
    %and3A_303 = arith.constant 15 : i32
    %and3A_304 = vector.broadcast %and3A_303 : i32 to vector<16xi32>
    %and3A_305 = arith.andi %add3A_302, %and3A_304 : vector<16xi32>
    %add3A_306 = arith.constant 14 : i32
    %add3A_307 = vector.broadcast %add3A_306 : i32 to vector<16xi32>
    %add3A_308 = arith.addi %iota3A, %add3A_307 : vector<16xi32>
    %and3A_309 = arith.constant 15 : i32
    %and3A_310 = vector.broadcast %and3A_309 : i32 to vector<16xi32>
    %and3A_311 = arith.andi %add3A_308, %and3A_310 : vector<16xi32>
    %add3A_312 = arith.constant 15 : i32
    %add3A_313 = vector.broadcast %add3A_312 : i32 to vector<16xi32>
    %add3A_314 = arith.addi %iota3A, %add3A_313 : vector<16xi32>
    %and3A_315 = arith.constant 15 : i32
    %and3A_316 = vector.broadcast %and3A_315 : i32 to vector<16xi32>
    %and3A_317 = arith.andi %add3A_314, %and3A_316 : vector<16xi32>
    %dma_wait3A = arith.constant 0 : i32
    %dma_wait3A_318 = arith.constant 0 : i32
    %dma_wait3A_319 = tpu.memref_slice %arg7[%dma_wait3A, %dma_wait3A_318] : memref<200x128xi32, #tpu.memory_space<vmem>> -> memref<104x128xi32, #tpu.memory_space<vmem>>
    %dma_wait3A_320 = arith.constant 0 : i32
    %dma_wait3A_321 = tpu.memref_slice %arg13[%dma_wait3A_320] : memref<208xi32, #tpu.memory_space<vmem>> -> memref<104xi32, #tpu.memory_space<vmem>>
    %dma_wait3A_322 = arith.constant 0 : i32
    %dma_wait3A_323 = arith.constant 0 : i32
    %dma_wait3A_324 = tpu.memref_slice %arg2[%dma_wait3A_322, %dma_wait3A_323] : memref<6400x128xi32, #tpu.memory_space<hbm>> -> memref<6400x128xi32, #tpu.memory_space<hbm>>
    tpu.wait_indirect_dma semaphore(%arg14 : memref<!tpu.dma_semaphore, #tpu.memory_space<semaphore_mem>>) src(%dma_wait3A_324 : memref<6400x128xi32, #tpu.memory_space<hbm>>) dst(%dma_wait3A_319 : memref<104x128xi32, #tpu.memory_space<vmem>>)
    %dma_wait3A_325 = arith.constant 104 : i32
    %dma_wait3A_326 = arith.constant 0 : i32
    %dma_wait3A_327 = tpu.memref_slice %arg7[%dma_wait3A_325, %dma_wait3A_326] : memref<200x128xi32, #tpu.memory_space<vmem>> -> memref<96x128xi32, #tpu.memory_space<vmem>>
    %dma_wait3A_328 = arith.constant 104 : i32
    %dma_wait3A_329 = tpu.memref_slice %arg13[%dma_wait3A_328] : memref<208xi32, #tpu.memory_space<vmem>> -> memref<96xi32, #tpu.memory_space<vmem>>
    %dma_wait3A_330 = arith.constant 0 : i32
    %dma_wait3A_331 = arith.constant 0 : i32
    %dma_wait3A_332 = tpu.memref_slice %arg2[%dma_wait3A_330, %dma_wait3A_331] : memref<6400x128xi32, #tpu.memory_space<hbm>> -> memref<6400x128xi32, #tpu.memory_space<hbm>>
    tpu.wait_indirect_dma semaphore(%arg14 : memref<!tpu.dma_semaphore, #tpu.memory_space<semaphore_mem>>) src(%dma_wait3A_332 : memref<6400x128xi32, #tpu.memory_space<hbm>>) dst(%dma_wait3A_327 : memref<96x128xi32, #tpu.memory_space<vmem>>)
    %scan3A = arith.constant 0 : i32
    %scan3A_333 = arith.constant 0 : i32
    %scan3A_334 = arith.constant 32 : i32
    %scan3A_335 = arith.addi %scan3A_333, %scan3A_334 : i32
    %scan3A_336 = arith.constant 1 : i32
    scf.for %scan3A_340 = %scan3A_333 to %scan3A_335 step %scan3A_336  : i32 {
      %mul3A_341 = arith.constant 16 : i32
      %mul3A_342 = arith.muli %scan3A_340, %mul3A_341 : i32
      %add3A_343 = vector.broadcast %mul3A_342 : i32 to vector<16xi32>
      %add3A_344 = arith.addi %add3A_343, %iota3A : vector<16xi32>
      %mul3A_345 = arith.constant 50 : i32
      %mul3A_346 = vector.broadcast %mul3A_345 : i32 to vector<16xi32>
      %mul3A_347 = arith.muli %add3A_344, %mul3A_346 : vector<16xi32>
      %scan3A_348 = arith.constant 0 : i32
      %scan3A_349 = arith.constant 3 : i32
      %scan3A_350 = arith.addi %scan3A_348, %scan3A_349 : i32
      %scan3A_351 = arith.constant 1 : i32
      %scan3A_352 = scf.for %scan3A_453 = %scan3A_348 to %scan3A_350 step %scan3A_351 iter_args(%scan3A_454 = %broadcast_in_dim3A_222) -> (vector<16xf32>)  : i32 {
        %mul3A_455 = arith.constant 16 : i32
        %mul3A_456 = arith.muli %scan3A_453, %mul3A_455 : i32
        %add3A_457 = vector.broadcast %mul3A_456 : i32 to vector<16xi32>
        %add3A_458 = arith.addi %mul3A_347, %add3A_457 : vector<16xi32>
        %add3A_459 = arith.addi %add3A_458, %and3A_227 : vector<16xi32>
        %shift_right_arithmetic3A_460 = arith.constant 7 : i32
        %shift_right_arithmetic3A_461 = vector.broadcast %shift_right_arithmetic3A_460 : i32 to vector<16xi32>
        %shift_right_arithmetic3A_462 = arith.shrsi %add3A_459, %shift_right_arithmetic3A_461 : vector<16xi32>
        %and3A_463 = arith.constant 127 : i32
        %and3A_464 = vector.broadcast %and3A_463 : i32 to vector<16xi32>
        %and3A_465 = arith.andi %add3A_459, %and3A_464 : vector<16xi32>
        %gather3A_466 = tpu.vector_load_idx %arg7[%shift_right_arithmetic3A_462, %and3A_465] : memref<200x128xi32, #tpu.memory_space<vmem>>[vector<16xi32>, vector<16xi32>], vector<16xi32>,
        %shift_left3A_467 = arith.constant 4 : i32
        %shift_left3A_468 = vector.broadcast %shift_left3A_467 : i32 to vector<16xi32>
        %shift_left3A_469 = arith.shli %gather3A_466, %shift_left3A_468 : vector<16xi32>
        %and3A_470 = arith.constant 240 : i32
        %and3A_471 = vector.broadcast %and3A_470 : i32 to vector<16xi32>
        %and3A_472 = arith.andi %shift_left3A_469, %and3A_471 : vector<16xi32>
        %shift_right_arithmetic3A_473 = arith.constant 0 : i32
        %shift_right_arithmetic3A_474 = vector.broadcast %shift_right_arithmetic3A_473 : i32 to vector<16xi32>
        %shift_right_arithmetic3A_475 = arith.shrsi %gather3A_466, %shift_right_arithmetic3A_474 : vector<16xi32>
        %and3A_476 = arith.constant 240 : i32
        %and3A_477 = vector.broadcast %and3A_476 : i32 to vector<16xi32>
        %and3A_478 = arith.andi %shift_right_arithmetic3A_475, %and3A_477 : vector<16xi32>
        %shift_right_arithmetic3A_479 = arith.constant 4 : i32
        %shift_right_arithmetic3A_480 = vector.broadcast %shift_right_arithmetic3A_479 : i32 to vector<16xi32>
        %shift_right_arithmetic3A_481 = arith.shrsi %gather3A_466, %shift_right_arithmetic3A_480 : vector<16xi32>
        %and3A_482 = arith.constant 240 : i32
        %and3A_483 = vector.broadcast %and3A_482 : i32 to vector<16xi32>
        %and3A_484 = arith.andi %shift_right_arithmetic3A_481, %and3A_483 : vector<16xi32>
        %shift_right_arithmetic3A_485 = arith.constant 8 : i32
        %shift_right_arithmetic3A_486 = vector.broadcast %shift_right_arithmetic3A_485 : i32 to vector<16xi32>
        %shift_right_arithmetic3A_487 = arith.shrsi %gather3A_466, %shift_right_arithmetic3A_486 : vector<16xi32>
        %and3A_488 = arith.constant 240 : i32
        %and3A_489 = vector.broadcast %and3A_488 : i32 to vector<16xi32>
        %and3A_490 = arith.andi %shift_right_arithmetic3A_487, %and3A_489 : vector<16xi32>
        %add3A_491 = arith.addi %and3A_472, %iota3A : vector<16xi32>
        %gather3A_492 = tpu.vector_load_idx %arg12[%add3A_491] : memref<160xf32, #tpu.memory_space<vmem>>[vector<16xi32>], vector<16xf32>,
        %add3A_493 = arith.addf %scan3A_454, %gather3A_492 : vector<16xf32>
        %add3A_494 = arith.addi %and3A_478, %iota3A : vector<16xi32>
        %gather3A_495 = tpu.vector_load_idx %arg12[%add3A_494] : memref<160xf32, #tpu.memory_space<vmem>>[vector<16xi32>], vector<16xf32>,
        %add3A_496 = arith.addf %add3A_493, %gather3A_495 : vector<16xf32>
        %add3A_497 = arith.addi %and3A_484, %iota3A : vector<16xi32>
        %gather3A_498 = tpu.vector_load_idx %arg12[%add3A_497] : memref<160xf32, #tpu.memory_space<vmem>>[vector<16xi32>], vector<16xf32>,
        %add3A_499 = arith.addf %add3A_496, %gather3A_498 : vector<16xf32>
        %add3A_500 = arith.addi %and3A_490, %iota3A : vector<16xi32>
        %gather3A_501 = tpu.vector_load_idx %arg12[%add3A_500] : memref<160xf32, #tpu.memory_space<vmem>>[vector<16xi32>], vector<16xf32>,
        %add3A_502 = arith.addf %add3A_499, %gather3A_501 : vector<16xf32>
        %add3A_503 = arith.addi %add3A_458, %and3A_233 : vector<16xi32>
        %shift_right_arithmetic3A_504 = arith.constant 7 : i32
        %shift_right_arithmetic3A_505 = vector.broadcast %shift_right_arithmetic3A_504 : i32 to vector<16xi32>
        %shift_right_arithmetic3A_506 = arith.shrsi %add3A_503, %shift_right_arithmetic3A_505 : vector<16xi32>
        %and3A_507 = arith.constant 127 : i32
        %and3A_508 = vector.broadcast %and3A_507 : i32 to vector<16xi32>
        %and3A_509 = arith.andi %add3A_503, %and3A_508 : vector<16xi32>
        %gather3A_510 = tpu.vector_load_idx %arg7[%shift_right_arithmetic3A_506, %and3A_509] : memref<200x128xi32, #tpu.memory_space<vmem>>[vector<16xi32>, vector<16xi32>], vector<16xi32>,
        %shift_left3A_511 = arith.constant 4 : i32
        %shift_left3A_512 = vector.broadcast %shift_left3A_511 : i32 to vector<16xi32>
        %shift_left3A_513 = arith.shli %gather3A_510, %shift_left3A_512 : vector<16xi32>
        %and3A_514 = arith.constant 240 : i32
        %and3A_515 = vector.broadcast %and3A_514 : i32 to vector<16xi32>
        %and3A_516 = arith.andi %shift_left3A_513, %and3A_515 : vector<16xi32>
        %shift_right_arithmetic3A_517 = arith.constant 0 : i32
        %shift_right_arithmetic3A_518 = vector.broadcast %shift_right_arithmetic3A_517 : i32 to vector<16xi32>
        %shift_right_arithmetic3A_519 = arith.shrsi %gather3A_510, %shift_right_arithmetic3A_518 : vector<16xi32>
        %and3A_520 = arith.constant 240 : i32
        %and3A_521 = vector.broadcast %and3A_520 : i32 to vector<16xi32>
        %and3A_522 = arith.andi %shift_right_arithmetic3A_519, %and3A_521 : vector<16xi32>
        %shift_right_arithmetic3A_523 = arith.constant 4 : i32
        %shift_right_arithmetic3A_524 = vector.broadcast %shift_right_arithmetic3A_523 : i32 to vector<16xi32>
        %shift_right_arithmetic3A_525 = arith.shrsi %gather3A_510, %shift_right_arithmetic3A_524 : vector<16xi32>
        %and3A_526 = arith.constant 240 : i32
        %and3A_527 = vector.broadcast %and3A_526 : i32 to vector<16xi32>
        %and3A_528 = arith.andi %shift_right_arithmetic3A_525, %and3A_527 : vector<16xi32>
        %shift_right_arithmetic3A_529 = arith.constant 8 : i32
        %shift_right_arithmetic3A_530 = vector.broadcast %shift_right_arithmetic3A_529 : i32 to vector<16xi32>
        %shift_right_arithmetic3A_531 = arith.shrsi %gather3A_510, %shift_right_arithmetic3A_530 : vector<16xi32>
        %and3A_532 = arith.constant 240 : i32
        %and3A_533 = vector.broadcast %and3A_532 : i32 to vector<16xi32>
        %and3A_534 = arith.andi %shift_right_arithmetic3A_531, %and3A_533 : vector<16xi32>
        %add3A_535 = arith.addi %and3A_516, %iota3A : vector<16xi32>
        %gather3A_536 = tpu.vector_load_idx %arg12[%add3A_535] : memref<160xf32, #tpu.memory_space<vmem>>[vector<16xi32>], vector<16xf32>,
        %add3A_537 = arith.addf %add3A_502, %gather3A_536 : vector<16xf32>
        %add3A_538 = arith.addi %and3A_522, %iota3A : vector<16xi32>
        %gather3A_539 = tpu.vector_load_idx %arg12[%add3A_538] : memref<160xf32, #tpu.memory_space<vmem>>[vector<16xi32>], vector<16xf32>,
        %add3A_540 = arith.addf %add3A_537, %gather3A_539 : vector<16xf32>
        %add3A_541 = arith.addi %and3A_528, %iota3A : vector<16xi32>
        %gather3A_542 = tpu.vector_load_idx %arg12[%add3A_541] : memref<160xf32, #tpu.memory_space<vmem>>[vector<16xi32>], vector<16xf32>,
        %add3A_543 = arith.addf %add3A_540, %gather3A_542 : vector<16xf32>
        %add3A_544 = arith.addi %and3A_534, %iota3A : vector<16xi32>
        %gather3A_545 = tpu.vector_load_idx %arg12[%add3A_544] : memref<160xf32, #tpu.memory_space<vmem>>[vector<16xi32>], vector<16xf32>,
        %add3A_546 = arith.addf %add3A_543, %gather3A_545 : vector<16xf32>
        %add3A_547 = arith.addi %add3A_458, %and3A_239 : vector<16xi32>
        %shift_right_arithmetic3A_548 = arith.constant 7 : i32
        %shift_right_arithmetic3A_549 = vector.broadcast %shift_right_arithmetic3A_548 : i32 to vector<16xi32>
        %shift_right_arithmetic3A_550 = arith.shrsi %add3A_547, %shift_right_arithmetic3A_549 : vector<16xi32>
        %and3A_551 = arith.constant 127 : i32
        %and3A_552 = vector.broadcast %and3A_551 : i32 to vector<16xi32>
        %and3A_553 = arith.andi %add3A_547, %and3A_552 : vector<16xi32>
        %gather3A_554 = tpu.vector_load_idx %arg7[%shift_right_arithmetic3A_550, %and3A_553] : memref<200x128xi32, #tpu.memory_space<vmem>>[vector<16xi32>, vector<16xi32>], vector<16xi32>,
        %shift_left3A_555 = arith.constant 4 : i32
        %shift_left3A_556 = vector.broadcast %shift_left3A_555 : i32 to vector<16xi32>
        %shift_left3A_557 = arith.shli %gather3A_554, %shift_left3A_556 : vector<16xi32>
        %and3A_558 = arith.constant 240 : i32
        %and3A_559 = vector.broadcast %and3A_558 : i32 to vector<16xi32>
        %and3A_560 = arith.andi %shift_left3A_557, %and3A_559 : vector<16xi32>
        %shift_right_arithmetic3A_561 = arith.constant 0 : i32
        %shift_right_arithmetic3A_562 = vector.broadcast %shift_right_arithmetic3A_561 : i32 to vector<16xi32>
        %shift_right_arithmetic3A_563 = arith.shrsi %gather3A_554, %shift_right_arithmetic3A_562 : vector<16xi32>
        %and3A_564 = arith.constant 240 : i32
        %and3A_565 = vector.broadcast %and3A_564 : i32 to vector<16xi32>
        %and3A_566 = arith.andi %shift_right_arithmetic3A_563, %and3A_565 : vector<16xi32>
        %shift_right_arithmetic3A_567 = arith.constant 4 : i32
        %shift_right_arithmetic3A_568 = vector.broadcast %shift_right_arithmetic3A_567 : i32 to vector<16xi32>
        %shift_right_arithmetic3A_569 = arith.shrsi %gather3A_554, %shift_right_arithmetic3A_568 : vector<16xi32>
        %and3A_570 = arith.constant 240 : i32
        %and3A_571 = vector.broadcast %and3A_570 : i32 to vector<16xi32>
        %and3A_572 = arith.andi %shift_right_arithmetic3A_569, %and3A_571 : vector<16xi32>
        %shift_right_arithmetic3A_573 = arith.constant 8 : i32
        %shift_right_arithmetic3A_574 = vector.broadcast %shift_right_arithmetic3A_573 : i32 to vector<16xi32>
        %shift_right_arithmetic3A_575 = arith.shrsi %gather3A_554, %shift_right_arithmetic3A_574 : vector<16xi32>
        %and3A_576 = arith.constant 240 : i32
        %and3A_577 = vector.broadcast %and3A_576 : i32 to vector<16xi32>
        %and3A_578 = arith.andi %shift_right_arithmetic3A_575, %and3A_577 : vector<16xi32>
        %add3A_579 = arith.addi %and3A_560, %iota3A : vector<16xi32>
        %gather3A_580 = tpu.vector_load_idx %arg12[%add3A_579] : memref<160xf32, #tpu.memory_space<vmem>>[vector<16xi32>], vector<16xf32>,
        %add3A_581 = arith.addf %add3A_546, %gather3A_580 : vector<16xf32>
        %add3A_582 = arith.addi %and3A_566, %iota3A : vector<16xi32>
        %gather3A_583 = tpu.vector_load_idx %arg12[%add3A_582] : memref<160xf32, #tpu.memory_space<vmem>>[vector<16xi32>], vector<16xf32>,
        %add3A_584 = arith.addf %add3A_581, %gather3A_583 : vector<16xf32>
        %add3A_585 = arith.addi %and3A_572, %iota3A : vector<16xi32>
        %gather3A_586 = tpu.vector_load_idx %arg12[%add3A_585] : memref<160xf32, #tpu.memory_space<vmem>>[vector<16xi32>], vector<16xf32>,
        %add3A_587 = arith.addf %add3A_584, %gather3A_586 : vector<16xf32>
        %add3A_588 = arith.addi %and3A_578, %iota3A : vector<16xi32>
        %gather3A_589 = tpu.vector_load_idx %arg12[%add3A_588] : memref<160xf32, #tpu.memory_space<vmem>>[vector<16xi32>], vector<16xf32>,
        %add3A_590 = arith.addf %add3A_587, %gather3A_589 : vector<16xf32>
        %add3A_591 = arith.addi %add3A_458, %and3A_245 : vector<16xi32>
        %shift_right_arithmetic3A_592 = arith.constant 7 : i32
        %shift_right_arithmetic3A_593 = vector.broadcast %shift_right_arithmetic3A_592 : i32 to vector<16xi32>
        %shift_right_arithmetic3A_594 = arith.shrsi %add3A_591, %shift_right_arithmetic3A_593 : vector<16xi32>
        %and3A_595 = arith.constant 127 : i32
        %and3A_596 = vector.broadcast %and3A_595 : i32 to vector<16xi32>
        %and3A_597 = arith.andi %add3A_591, %and3A_596 : vector<16xi32>
        %gather3A_598 = tpu.vector_load_idx %arg7[%shift_right_arithmetic3A_594, %and3A_597] : memref<200x128xi32, #tpu.memory_space<vmem>>[vector<16xi32>, vector<16xi32>], vector<16xi32>,
        %shift_left3A_599 = arith.constant 4 : i32
        %shift_left3A_600 = vector.broadcast %shift_left3A_599 : i32 to vector<16xi32>
        %shift_left3A_601 = arith.shli %gather3A_598, %shift_left3A_600 : vector<16xi32>
        %and3A_602 = arith.constant 240 : i32
        %and3A_603 = vector.broadcast %and3A_602 : i32 to vector<16xi32>
        %and3A_604 = arith.andi %shift_left3A_601, %and3A_603 : vector<16xi32>
        %shift_right_arithmetic3A_605 = arith.constant 0 : i32
        %shift_right_arithmetic3A_606 = vector.broadcast %shift_right_arithmetic3A_605 : i32 to vector<16xi32>
        %shift_right_arithmetic3A_607 = arith.shrsi %gather3A_598, %shift_right_arithmetic3A_606 : vector<16xi32>
        %and3A_608 = arith.constant 240 : i32
        %and3A_609 = vector.broadcast %and3A_608 : i32 to vector<16xi32>
        %and3A_610 = arith.andi %shift_right_arithmetic3A_607, %and3A_609 : vector<16xi32>
        %shift_right_arithmetic3A_611 = arith.constant 4 : i32
        %shift_right_arithmetic3A_612 = vector.broadcast %shift_right_arithmetic3A_611 : i32 to vector<16xi32>
        %shift_right_arithmetic3A_613 = arith.shrsi %gather3A_598, %shift_right_arithmetic3A_612 : vector<16xi32>
        %and3A_614 = arith.constant 240 : i32
        %and3A_615 = vector.broadcast %and3A_614 : i32 to vector<16xi32>
        %and3A_616 = arith.andi %shift_right_arithmetic3A_613, %and3A_615 : vector<16xi32>
        %shift_right_arithmetic3A_617 = arith.constant 8 : i32
        %shift_right_arithmetic3A_618 = vector.broadcast %shift_right_arithmetic3A_617 : i32 to vector<16xi32>
        %shift_right_arithmetic3A_619 = arith.shrsi %gather3A_598, %shift_right_arithmetic3A_618 : vector<16xi32>
        %and3A_620 = arith.constant 240 : i32
        %and3A_621 = vector.broadcast %and3A_620 : i32 to vector<16xi32>
        %and3A_622 = arith.andi %shift_right_arithmetic3A_619, %and3A_621 : vector<16xi32>
        %add3A_623 = arith.addi %and3A_604, %iota3A : vector<16xi32>
        %gather3A_624 = tpu.vector_load_idx %arg12[%add3A_623] : memref<160xf32, #tpu.memory_space<vmem>>[vector<16xi32>], vector<16xf32>,
        %add3A_625 = arith.addf %add3A_590, %gather3A_624 : vector<16xf32>
        %add3A_626 = arith.addi %and3A_610, %iota3A : vector<16xi32>
        %gather3A_627 = tpu.vector_load_idx %arg12[%add3A_626] : memref<160xf32, #tpu.memory_space<vmem>>[vector<16xi32>], vector<16xf32>,
        %add3A_628 = arith.addf %add3A_625, %gather3A_627 : vector<16xf32>
        %add3A_629 = arith.addi %and3A_616, %iota3A : vector<16xi32>
        %gather3A_630 = tpu.vector_load_idx %arg12[%add3A_629] : memref<160xf32, #tpu.memory_space<vmem>>[vector<16xi32>], vector<16xf32>,
        %add3A_631 = arith.addf %add3A_628, %gather3A_630 : vector<16xf32>
        %add3A_632 = arith.addi %and3A_622, %iota3A : vector<16xi32>
        %gather3A_633 = tpu.vector_load_idx %arg12[%add3A_632] : memref<160xf32, #tpu.memory_space<vmem>>[vector<16xi32>], vector<16xf32>,
        %add3A_634 = arith.addf %add3A_631, %gather3A_633 : vector<16xf32>
        %add3A_635 = arith.addi %add3A_458, %and3A_251 : vector<16xi32>
        %shift_right_arithmetic3A_636 = arith.constant 7 : i32
        %shift_right_arithmetic3A_637 = vector.broadcast %shift_right_arithmetic3A_636 : i32 to vector<16xi32>
        %shift_right_arithmetic3A_638 = arith.shrsi %add3A_635, %shift_right_arithmetic3A_637 : vector<16xi32>
        %and3A_639 = arith.constant 127 : i32
        %and3A_640 = vector.broadcast %and3A_639 : i32 to vector<16xi32>
        %and3A_641 = arith.andi %add3A_635, %and3A_640 : vector<16xi32>
        %gather3A_642 = tpu.vector_load_idx %arg7[%shift_right_arithmetic3A_638, %and3A_641] : memref<200x128xi32, #tpu.memory_space<vmem>>[vector<16xi32>, vector<16xi32>], vector<16xi32>,
        %shift_left3A_643 = arith.constant 4 : i32
        %shift_left3A_644 = vector.broadcast %shift_left3A_643 : i32 to vector<16xi32>
        %shift_left3A_645 = arith.shli %gather3A_642, %shift_left3A_644 : vector<16xi32>
        %and3A_646 = arith.constant 240 : i32
        %and3A_647 = vector.broadcast %and3A_646 : i32 to vector<16xi32>
        %and3A_648 = arith.andi %shift_left3A_645, %and3A_647 : vector<16xi32>
        %shift_right_arithmetic3A_649 = arith.constant 0 : i32
        %shift_right_arithmetic3A_650 = vector.broadcast %shift_right_arithmetic3A_649 : i32 to vector<16xi32>
        %shift_right_arithmetic3A_651 = arith.shrsi %gather3A_642, %shift_right_arithmetic3A_650 : vector<16xi32>
        %and3A_652 = arith.constant 240 : i32
        %and3A_653 = vector.broadcast %and3A_652 : i32 to vector<16xi32>
        %and3A_654 = arith.andi %shift_right_arithmetic3A_651, %and3A_653 : vector<16xi32>
        %shift_right_arithmetic3A_655 = arith.constant 4 : i32
        %shift_right_arithmetic3A_656 = vector.broadcast %shift_right_arithmetic3A_655 : i32 to vector<16xi32>
        %shift_right_arithmetic3A_657 = arith.shrsi %gather3A_642, %shift_right_arithmetic3A_656 : vector<16xi32>
        %and3A_658 = arith.constant 240 : i32
        %and3A_659 = vector.broadcast %and3A_658 : i32 to vector<16xi32>
        %and3A_660 = arith.andi %shift_right_arithmetic3A_657, %and3A_659 : vector<16xi32>
        %shift_right_arithmetic3A_661 = arith.constant 8 : i32
        %shift_right_arithmetic3A_662 = vector.broadcast %shift_right_arithmetic3A_661 : i32 to vector<16xi32>
        %shift_right_arithmetic3A_663 = arith.shrsi %gather3A_642, %shift_right_arithmetic3A_662 : vector<16xi32>
        %and3A_664 = arith.constant 240 : i32
        %and3A_665 = vector.broadcast %and3A_664 : i32 to vector<16xi32>
        %and3A_666 = arith.andi %shift_right_arithmetic3A_663, %and3A_665 : vector<16xi32>
        %add3A_667 = arith.addi %and3A_648, %iota3A : vector<16xi32>
        %gather3A_668 = tpu.vector_load_idx %arg12[%add3A_667] : memref<160xf32, #tpu.memory_space<vmem>>[vector<16xi32>], vector<16xf32>,
        %add3A_669 = arith.addf %add3A_634, %gather3A_668 : vector<16xf32>
        %add3A_670 = arith.addi %and3A_654, %iota3A : vector<16xi32>
        %gather3A_671 = tpu.vector_load_idx %arg12[%add3A_670] : memref<160xf32, #tpu.memory_space<vmem>>[vector<16xi32>], vector<16xf32>,
        %add3A_672 = arith.addf %add3A_669, %gather3A_671 : vector<16xf32>
        %add3A_673 = arith.addi %and3A_660, %iota3A : vector<16xi32>
        %gather3A_674 = tpu.vector_load_idx %arg12[%add3A_673] : memref<160xf32, #tpu.memory_space<vmem>>[vector<16xi32>], vector<16xf32>,
        %add3A_675 = arith.addf %add3A_672, %gather3A_674 : vector<16xf32>
        %add3A_676 = arith.addi %and3A_666, %iota3A : vector<16xi32>
        %gather3A_677 = tpu.vector_load_idx %arg12[%add3A_676] : memref<160xf32, #tpu.memory_space<vmem>>[vector<16xi32>], vector<16xf32>,
        %add3A_678 = arith.addf %add3A_675, %gather3A_677 : vector<16xf32>
        %add3A_679 = arith.addi %add3A_458, %and3A_257 : vector<16xi32>
        %shift_right_arithmetic3A_680 = arith.constant 7 : i32
        %shift_right_arithmetic3A_681 = vector.broadcast %shift_right_arithmetic3A_680 : i32 to vector<16xi32>
        %shift_right_arithmetic3A_682 = arith.shrsi %add3A_679, %shift_right_arithmetic3A_681 : vector<16xi32>
        %and3A_683 = arith.constant 127 : i32
        %and3A_684 = vector.broadcast %and3A_683 : i32 to vector<16xi32>
        %and3A_685 = arith.andi %add3A_679, %and3A_684 : vector<16xi32>
        %gather3A_686 = tpu.vector_load_idx %arg7[%shift_right_arithmetic3A_682, %and3A_685] : memref<200x128xi32, #tpu.memory_space<vmem>>[vector<16xi32>, vector<16xi32>], vector<16xi32>,
        %shift_left3A_687 = arith.constant 4 : i32
        %shift_left3A_688 = vector.broadcast %shift_left3A_687 : i32 to vector<16xi32>
        %shift_left3A_689 = arith.shli %gather3A_686, %shift_left3A_688 : vector<16xi32>
        %and3A_690 = arith.constant 240 : i32
        %and3A_691 = vector.broadcast %and3A_690 : i32 to vector<16xi32>
        %and3A_692 = arith.andi %shift_left3A_689, %and3A_691 : vector<16xi32>
        %shift_right_arithmetic3A_693 = arith.constant 0 : i32
        %shift_right_arithmetic3A_694 = vector.broadcast %shift_right_arithmetic3A_693 : i32 to vector<16xi32>
        %shift_right_arithmetic3A_695 = arith.shrsi %gather3A_686, %shift_right_arithmetic3A_694 : vector<16xi32>
        %and3A_696 = arith.constant 240 : i32
        %and3A_697 = vector.broadcast %and3A_696 : i32 to vector<16xi32>
        %and3A_698 = arith.andi %shift_right_arithmetic3A_695, %and3A_697 : vector<16xi32>
        %shift_right_arithmetic3A_699 = arith.constant 4 : i32
        %shift_right_arithmetic3A_700 = vector.broadcast %shift_right_arithmetic3A_699 : i32 to vector<16xi32>
        %shift_right_arithmetic3A_701 = arith.shrsi %gather3A_686, %shift_right_arithmetic3A_700 : vector<16xi32>
        %and3A_702 = arith.constant 240 : i32
        %and3A_703 = vector.broadcast %and3A_702 : i32 to vector<16xi32>
        %and3A_704 = arith.andi %shift_right_arithmetic3A_701, %and3A_703 : vector<16xi32>
        %shift_right_arithmetic3A_705 = arith.constant 8 : i32
        %shift_right_arithmetic3A_706 = vector.broadcast %shift_right_arithmetic3A_705 : i32 to vector<16xi32>
        %shift_right_arithmetic3A_707 = arith.shrsi %gather3A_686, %shift_right_arithmetic3A_706 : vector<16xi32>
        %and3A_708 = arith.constant 240 : i32
        %and3A_709 = vector.broadcast %and3A_708 : i32 to vector<16xi32>
        %and3A_710 = arith.andi %shift_right_arithmetic3A_707, %and3A_709 : vector<16xi32>
        %add3A_711 = arith.addi %and3A_692, %iota3A : vector<16xi32>
        %gather3A_712 = tpu.vector_load_idx %arg12[%add3A_711] : memref<160xf32, #tpu.memory_space<vmem>>[vector<16xi32>], vector<16xf32>,
        %add3A_713 = arith.addf %add3A_678, %gather3A_712 : vector<16xf32>
        %add3A_714 = arith.addi %and3A_698, %iota3A : vector<16xi32>
        %gather3A_715 = tpu.vector_load_idx %arg12[%add3A_714] : memref<160xf32, #tpu.memory_space<vmem>>[vector<16xi32>], vector<16xf32>,
        %add3A_716 = arith.addf %add3A_713, %gather3A_715 : vector<16xf32>
        %add3A_717 = arith.addi %and3A_704, %iota3A : vector<16xi32>
        %gather3A_718 = tpu.vector_load_idx %arg12[%add3A_717] : memref<160xf32, #tpu.memory_space<vmem>>[vector<16xi32>], vector<16xf32>,
        %add3A_719 = arith.addf %add3A_716, %gather3A_718 : vector<16xf32>
        %add3A_720 = arith.addi %and3A_710, %iota3A : vector<16xi32>
        %gather3A_721 = tpu.vector_load_idx %arg12[%add3A_720] : memref<160xf32, #tpu.memory_space<vmem>>[vector<16xi32>], vector<16xf32>,
        %add3A_722 = arith.addf %add3A_719, %gather3A_721 : vector<16xf32>
        %add3A_723 = arith.addi %add3A_458, %and3A_263 : vector<16xi32>
        %shift_right_arithmetic3A_724 = arith.constant 7 : i32
        %shift_right_arithmetic3A_725 = vector.broadcast %shift_right_arithmetic3A_724 : i32 to vector<16xi32>
        %shift_right_arithmetic3A_726 = arith.shrsi %add3A_723, %shift_right_arithmetic3A_725 : vector<16xi32>
        %and3A_727 = arith.constant 127 : i32
        %and3A_728 = vector.broadcast %and3A_727 : i32 to vector<16xi32>
        %and3A_729 = arith.andi %add3A_723, %and3A_728 : vector<16xi32>
        %gather3A_730 = tpu.vector_load_idx %arg7[%shift_right_arithmetic3A_726, %and3A_729] : memref<200x128xi32, #tpu.memory_space<vmem>>[vector<16xi32>, vector<16xi32>], vector<16xi32>,
        %shift_left3A_731 = arith.constant 4 : i32
        %shift_left3A_732 = vector.broadcast %shift_left3A_731 : i32 to vector<16xi32>
        %shift_left3A_733 = arith.shli %gather3A_730, %shift_left3A_732 : vector<16xi32>
        %and3A_734 = arith.constant 240 : i32
        %and3A_735 = vector.broadcast %and3A_734 : i32 to vector<16xi32>
        %and3A_736 = arith.andi %shift_left3A_733, %and3A_735 : vector<16xi32>
        %shift_right_arithmetic3A_737 = arith.constant 0 : i32
        %shift_right_arithmetic3A_738 = vector.broadcast %shift_right_arithmetic3A_737 : i32 to vector<16xi32>
        %shift_right_arithmetic3A_739 = arith.shrsi %gather3A_730, %shift_right_arithmetic3A_738 : vector<16xi32>
        %and3A_740 = arith.constant 240 : i32
        %and3A_741 = vector.broadcast %and3A_740 : i32 to vector<16xi32>
        %and3A_742 = arith.andi %shift_right_arithmetic3A_739, %and3A_741 : vector<16xi32>
        %shift_right_arithmetic3A_743 = arith.constant 4 : i32
        %shift_right_arithmetic3A_744 = vector.broadcast %shift_right_arithmetic3A_743 : i32 to vector<16xi32>
        %shift_right_arithmetic3A_745 = arith.shrsi %gather3A_730, %shift_right_arithmetic3A_744 : vector<16xi32>
        %and3A_746 = arith.constant 240 : i32
        %and3A_747 = vector.broadcast %and3A_746 : i32 to vector<16xi32>
        %and3A_748 = arith.andi %shift_right_arithmetic3A_745, %and3A_747 : vector<16xi32>
        %shift_right_arithmetic3A_749 = arith.constant 8 : i32
        %shift_right_arithmetic3A_750 = vector.broadcast %shift_right_arithmetic3A_749 : i32 to vector<16xi32>
        %shift_right_arithmetic3A_751 = arith.shrsi %gather3A_730, %shift_right_arithmetic3A_750 : vector<16xi32>
        %and3A_752 = arith.constant 240 : i32
        %and3A_753 = vector.broadcast %and3A_752 : i32 to vector<16xi32>
        %and3A_754 = arith.andi %shift_right_arithmetic3A_751, %and3A_753 : vector<16xi32>
        %add3A_755 = arith.addi %and3A_736, %iota3A : vector<16xi32>
        %gather3A_756 = tpu.vector_load_idx %arg12[%add3A_755] : memref<160xf32, #tpu.memory_space<vmem>>[vector<16xi32>], vector<16xf32>,
        %add3A_757 = arith.addf %add3A_722, %gather3A_756 : vector<16xf32>
        %add3A_758 = arith.addi %and3A_742, %iota3A : vector<16xi32>
        %gather3A_759 = tpu.vector_load_idx %arg12[%add3A_758] : memref<160xf32, #tpu.memory_space<vmem>>[vector<16xi32>], vector<16xf32>,
        %add3A_760 = arith.addf %add3A_757, %gather3A_759 : vector<16xf32>
        %add3A_761 = arith.addi %and3A_748, %iota3A : vector<16xi32>
        %gather3A_762 = tpu.vector_load_idx %arg12[%add3A_761] : memref<160xf32, #tpu.memory_space<vmem>>[vector<16xi32>], vector<16xf32>,
        %add3A_763 = arith.addf %add3A_760, %gather3A_762 : vector<16xf32>
        %add3A_764 = arith.addi %and3A_754, %iota3A : vector<16xi32>
        %gather3A_765 = tpu.vector_load_idx %arg12[%add3A_764] : memref<160xf32, #tpu.memory_space<vmem>>[vector<16xi32>], vector<16xf32>,
        %add3A_766 = arith.addf %add3A_763, %gather3A_765 : vector<16xf32>
        %add3A_767 = arith.addi %add3A_458, %and3A_269 : vector<16xi32>
        %shift_right_arithmetic3A_768 = arith.constant 7 : i32
        %shift_right_arithmetic3A_769 = vector.broadcast %shift_right_arithmetic3A_768 : i32 to vector<16xi32>
        %shift_right_arithmetic3A_770 = arith.shrsi %add3A_767, %shift_right_arithmetic3A_769 : vector<16xi32>
        %and3A_771 = arith.constant 127 : i32
        %and3A_772 = vector.broadcast %and3A_771 : i32 to vector<16xi32>
        %and3A_773 = arith.andi %add3A_767, %and3A_772 : vector<16xi32>
        %gather3A_774 = tpu.vector_load_idx %arg7[%shift_right_arithmetic3A_770, %and3A_773] : memref<200x128xi32, #tpu.memory_space<vmem>>[vector<16xi32>, vector<16xi32>], vector<16xi32>,
        %shift_left3A_775 = arith.constant 4 : i32
        %shift_left3A_776 = vector.broadcast %shift_left3A_775 : i32 to vector<16xi32>
        %shift_left3A_777 = arith.shli %gather3A_774, %shift_left3A_776 : vector<16xi32>
        %and3A_778 = arith.constant 240 : i32
        %and3A_779 = vector.broadcast %and3A_778 : i32 to vector<16xi32>
        %and3A_780 = arith.andi %shift_left3A_777, %and3A_779 : vector<16xi32>
        %shift_right_arithmetic3A_781 = arith.constant 0 : i32
        %shift_right_arithmetic3A_782 = vector.broadcast %shift_right_arithmetic3A_781 : i32 to vector<16xi32>
        %shift_right_arithmetic3A_783 = arith.shrsi %gather3A_774, %shift_right_arithmetic3A_782 : vector<16xi32>
        %and3A_784 = arith.constant 240 : i32
        %and3A_785 = vector.broadcast %and3A_784 : i32 to vector<16xi32>
        %and3A_786 = arith.andi %shift_right_arithmetic3A_783, %and3A_785 : vector<16xi32>
        %shift_right_arithmetic3A_787 = arith.constant 4 : i32
        %shift_right_arithmetic3A_788 = vector.broadcast %shift_right_arithmetic3A_787 : i32 to vector<16xi32>
        %shift_right_arithmetic3A_789 = arith.shrsi %gather3A_774, %shift_right_arithmetic3A_788 : vector<16xi32>
        %and3A_790 = arith.constant 240 : i32
        %and3A_791 = vector.broadcast %and3A_790 : i32 to vector<16xi32>
        %and3A_792 = arith.andi %shift_right_arithmetic3A_789, %and3A_791 : vector<16xi32>
        %shift_right_arithmetic3A_793 = arith.constant 8 : i32
        %shift_right_arithmetic3A_794 = vector.broadcast %shift_right_arithmetic3A_793 : i32 to vector<16xi32>
        %shift_right_arithmetic3A_795 = arith.shrsi %gather3A_774, %shift_right_arithmetic3A_794 : vector<16xi32>
        %and3A_796 = arith.constant 240 : i32
        %and3A_797 = vector.broadcast %and3A_796 : i32 to vector<16xi32>
        %and3A_798 = arith.andi %shift_right_arithmetic3A_795, %and3A_797 : vector<16xi32>
        %add3A_799 = arith.addi %and3A_780, %iota3A : vector<16xi32>
        %gather3A_800 = tpu.vector_load_idx %arg12[%add3A_799] : memref<160xf32, #tpu.memory_space<vmem>>[vector<16xi32>], vector<16xf32>,
        %add3A_801 = arith.addf %add3A_766, %gather3A_800 : vector<16xf32>
        %add3A_802 = arith.addi %and3A_786, %iota3A : vector<16xi32>
        %gather3A_803 = tpu.vector_load_idx %arg12[%add3A_802] : memref<160xf32, #tpu.memory_space<vmem>>[vector<16xi32>], vector<16xf32>,
        %add3A_804 = arith.addf %add3A_801, %gather3A_803 : vector<16xf32>
        %add3A_805 = arith.addi %and3A_792, %iota3A : vector<16xi32>
        %gather3A_806 = tpu.vector_load_idx %arg12[%add3A_805] : memref<160xf32, #tpu.memory_space<vmem>>[vector<16xi32>], vector<16xf32>,
        %add3A_807 = arith.addf %add3A_804, %gather3A_806 : vector<16xf32>
        %add3A_808 = arith.addi %and3A_798, %iota3A : vector<16xi32>
        %gather3A_809 = tpu.vector_load_idx %arg12[%add3A_808] : memref<160xf32, #tpu.memory_space<vmem>>[vector<16xi32>], vector<16xf32>,
        %add3A_810 = arith.addf %add3A_807, %gather3A_809 : vector<16xf32>
        %add3A_811 = arith.addi %add3A_458, %and3A_275 : vector<16xi32>
        %shift_right_arithmetic3A_812 = arith.constant 7 : i32
        %shift_right_arithmetic3A_813 = vector.broadcast %shift_right_arithmetic3A_812 : i32 to vector<16xi32>
        %shift_right_arithmetic3A_814 = arith.shrsi %add3A_811, %shift_right_arithmetic3A_813 : vector<16xi32>
        %and3A_815 = arith.constant 127 : i32
        %and3A_816 = vector.broadcast %and3A_815 : i32 to vector<16xi32>
        %and3A_817 = arith.andi %add3A_811, %and3A_816 : vector<16xi32>
        %gather3A_818 = tpu.vector_load_idx %arg7[%shift_right_arithmetic3A_814, %and3A_817] : memref<200x128xi32, #tpu.memory_space<vmem>>[vector<16xi32>, vector<16xi32>], vector<16xi32>,
        %shift_left3A_819 = arith.constant 4 : i32
        %shift_left3A_820 = vector.broadcast %shift_left3A_819 : i32 to vector<16xi32>
        %shift_left3A_821 = arith.shli %gather3A_818, %shift_left3A_820 : vector<16xi32>
        %and3A_822 = arith.constant 240 : i32
        %and3A_823 = vector.broadcast %and3A_822 : i32 to vector<16xi32>
        %and3A_824 = arith.andi %shift_left3A_821, %and3A_823 : vector<16xi32>
        %shift_right_arithmetic3A_825 = arith.constant 0 : i32
        %shift_right_arithmetic3A_826 = vector.broadcast %shift_right_arithmetic3A_825 : i32 to vector<16xi32>
        %shift_right_arithmetic3A_827 = arith.shrsi %gather3A_818, %shift_right_arithmetic3A_826 : vector<16xi32>
        %and3A_828 = arith.constant 240 : i32
        %and3A_829 = vector.broadcast %and3A_828 : i32 to vector<16xi32>
        %and3A_830 = arith.andi %shift_right_arithmetic3A_827, %and3A_829 : vector<16xi32>
        %shift_right_arithmetic3A_831 = arith.constant 4 : i32
        %shift_right_arithmetic3A_832 = vector.broadcast %shift_right_arithmetic3A_831 : i32 to vector<16xi32>
        %shift_right_arithmetic3A_833 = arith.shrsi %gather3A_818, %shift_right_arithmetic3A_832 : vector<16xi32>
        %and3A_834 = arith.constant 240 : i32
        %and3A_835 = vector.broadcast %and3A_834 : i32 to vector<16xi32>
        %and3A_836 = arith.andi %shift_right_arithmetic3A_833, %and3A_835 : vector<16xi32>
        %shift_right_arithmetic3A_837 = arith.constant 8 : i32
        %shift_right_arithmetic3A_838 = vector.broadcast %shift_right_arithmetic3A_837 : i32 to vector<16xi32>
        %shift_right_arithmetic3A_839 = arith.shrsi %gather3A_818, %shift_right_arithmetic3A_838 : vector<16xi32>
        %and3A_840 = arith.constant 240 : i32
        %and3A_841 = vector.broadcast %and3A_840 : i32 to vector<16xi32>
        %and3A_842 = arith.andi %shift_right_arithmetic3A_839, %and3A_841 : vector<16xi32>
        %add3A_843 = arith.addi %and3A_824, %iota3A : vector<16xi32>
        %gather3A_844 = tpu.vector_load_idx %arg12[%add3A_843] : memref<160xf32, #tpu.memory_space<vmem>>[vector<16xi32>], vector<16xf32>,
        %add3A_845 = arith.addf %add3A_810, %gather3A_844 : vector<16xf32>
        %add3A_846 = arith.addi %and3A_830, %iota3A : vector<16xi32>
        %gather3A_847 = tpu.vector_load_idx %arg12[%add3A_846] : memref<160xf32, #tpu.memory_space<vmem>>[vector<16xi32>], vector<16xf32>,
        %add3A_848 = arith.addf %add3A_845, %gather3A_847 : vector<16xf32>
        %add3A_849 = arith.addi %and3A_836, %iota3A : vector<16xi32>
        %gather3A_850 = tpu.vector_load_idx %arg12[%add3A_849] : memref<160xf32, #tpu.memory_space<vmem>>[vector<16xi32>], vector<16xf32>,
        %add3A_851 = arith.addf %add3A_848, %gather3A_850 : vector<16xf32>
        %add3A_852 = arith.addi %and3A_842, %iota3A : vector<16xi32>
        %gather3A_853 = tpu.vector_load_idx %arg12[%add3A_852] : memref<160xf32, #tpu.memory_space<vmem>>[vector<16xi32>], vector<16xf32>,
        %add3A_854 = arith.addf %add3A_851, %gather3A_853 : vector<16xf32>
        %add3A_855 = arith.addi %add3A_458, %and3A_281 : vector<16xi32>
        %shift_right_arithmetic3A_856 = arith.constant 7 : i32
        %shift_right_arithmetic3A_857 = vector.broadcast %shift_right_arithmetic3A_856 : i32 to vector<16xi32>
        %shift_right_arithmetic3A_858 = arith.shrsi %add3A_855, %shift_right_arithmetic3A_857 : vector<16xi32>
        %and3A_859 = arith.constant 127 : i32
        %and3A_860 = vector.broadcast %and3A_859 : i32 to vector<16xi32>
        %and3A_861 = arith.andi %add3A_855, %and3A_860 : vector<16xi32>
        %gather3A_862 = tpu.vector_load_idx %arg7[%shift_right_arithmetic3A_858, %and3A_861] : memref<200x128xi32, #tpu.memory_space<vmem>>[vector<16xi32>, vector<16xi32>], vector<16xi32>,
        %shift_left3A_863 = arith.constant 4 : i32
        %shift_left3A_864 = vector.broadcast %shift_left3A_863 : i32 to vector<16xi32>
        %shift_left3A_865 = arith.shli %gather3A_862, %shift_left3A_864 : vector<16xi32>
        %and3A_866 = arith.constant 240 : i32
        %and3A_867 = vector.broadcast %and3A_866 : i32 to vector<16xi32>
        %and3A_868 = arith.andi %shift_left3A_865, %and3A_867 : vector<16xi32>
        %shift_right_arithmetic3A_869 = arith.constant 0 : i32
        %shift_right_arithmetic3A_870 = vector.broadcast %shift_right_arithmetic3A_869 : i32 to vector<16xi32>
        %shift_right_arithmetic3A_871 = arith.shrsi %gather3A_862, %shift_right_arithmetic3A_870 : vector<16xi32>
        %and3A_872 = arith.constant 240 : i32
        %and3A_873 = vector.broadcast %and3A_872 : i32 to vector<16xi32>
        %and3A_874 = arith.andi %shift_right_arithmetic3A_871, %and3A_873 : vector<16xi32>
        %shift_right_arithmetic3A_875 = arith.constant 4 : i32
        %shift_right_arithmetic3A_876 = vector.broadcast %shift_right_arithmetic3A_875 : i32 to vector<16xi32>
        %shift_right_arithmetic3A_877 = arith.shrsi %gather3A_862, %shift_right_arithmetic3A_876 : vector<16xi32>
        %and3A_878 = arith.constant 240 : i32
        %and3A_879 = vector.broadcast %and3A_878 : i32 to vector<16xi32>
        %and3A_880 = arith.andi %shift_right_arithmetic3A_877, %and3A_879 : vector<16xi32>
        %shift_right_arithmetic3A_881 = arith.constant 8 : i32
        %shift_right_arithmetic3A_882 = vector.broadcast %shift_right_arithmetic3A_881 : i32 to vector<16xi32>
        %shift_right_arithmetic3A_883 = arith.shrsi %gather3A_862, %shift_right_arithmetic3A_882 : vector<16xi32>
        %and3A_884 = arith.constant 240 : i32
        %and3A_885 = vector.broadcast %and3A_884 : i32 to vector<16xi32>
        %and3A_886 = arith.andi %shift_right_arithmetic3A_883, %and3A_885 : vector<16xi32>
        %add3A_887 = arith.addi %and3A_868, %iota3A : vector<16xi32>
        %gather3A_888 = tpu.vector_load_idx %arg12[%add3A_887] : memref<160xf32, #tpu.memory_space<vmem>>[vector<16xi32>], vector<16xf32>,
        %add3A_889 = arith.addf %add3A_854, %gather3A_888 : vector<16xf32>
        %add3A_890 = arith.addi %and3A_874, %iota3A : vector<16xi32>
        %gather3A_891 = tpu.vector_load_idx %arg12[%add3A_890] : memref<160xf32, #tpu.memory_space<vmem>>[vector<16xi32>], vector<16xf32>,
        %add3A_892 = arith.addf %add3A_889, %gather3A_891 : vector<16xf32>
        %add3A_893 = arith.addi %and3A_880, %iota3A : vector<16xi32>
        %gather3A_894 = tpu.vector_load_idx %arg12[%add3A_893] : memref<160xf32, #tpu.memory_space<vmem>>[vector<16xi32>], vector<16xf32>,
        %add3A_895 = arith.addf %add3A_892, %gather3A_894 : vector<16xf32>
        %add3A_896 = arith.addi %and3A_886, %iota3A : vector<16xi32>
        %gather3A_897 = tpu.vector_load_idx %arg12[%add3A_896] : memref<160xf32, #tpu.memory_space<vmem>>[vector<16xi32>], vector<16xf32>,
        %add3A_898 = arith.addf %add3A_895, %gather3A_897 : vector<16xf32>
        %add3A_899 = arith.addi %add3A_458, %and3A_287 : vector<16xi32>
        %shift_right_arithmetic3A_900 = arith.constant 7 : i32
        %shift_right_arithmetic3A_901 = vector.broadcast %shift_right_arithmetic3A_900 : i32 to vector<16xi32>
        %shift_right_arithmetic3A_902 = arith.shrsi %add3A_899, %shift_right_arithmetic3A_901 : vector<16xi32>
        %and3A_903 = arith.constant 127 : i32
        %and3A_904 = vector.broadcast %and3A_903 : i32 to vector<16xi32>
        %and3A_905 = arith.andi %add3A_899, %and3A_904 : vector<16xi32>
        %gather3A_906 = tpu.vector_load_idx %arg7[%shift_right_arithmetic3A_902, %and3A_905] : memref<200x128xi32, #tpu.memory_space<vmem>>[vector<16xi32>, vector<16xi32>], vector<16xi32>,
        %shift_left3A_907 = arith.constant 4 : i32
        %shift_left3A_908 = vector.broadcast %shift_left3A_907 : i32 to vector<16xi32>
        %shift_left3A_909 = arith.shli %gather3A_906, %shift_left3A_908 : vector<16xi32>
        %and3A_910 = arith.constant 240 : i32
        %and3A_911 = vector.broadcast %and3A_910 : i32 to vector<16xi32>
        %and3A_912 = arith.andi %shift_left3A_909, %and3A_911 : vector<16xi32>
        %shift_right_arithmetic3A_913 = arith.constant 0 : i32
        %shift_right_arithmetic3A_914 = vector.broadcast %shift_right_arithmetic3A_913 : i32 to vector<16xi32>
        %shift_right_arithmetic3A_915 = arith.shrsi %gather3A_906, %shift_right_arithmetic3A_914 : vector<16xi32>
        %and3A_916 = arith.constant 240 : i32
        %and3A_917 = vector.broadcast %and3A_916 : i32 to vector<16xi32>
        %and3A_918 = arith.andi %shift_right_arithmetic3A_915, %and3A_917 : vector<16xi32>
        %shift_right_arithmetic3A_919 = arith.constant 4 : i32
        %shift_right_arithmetic3A_920 = vector.broadcast %shift_right_arithmetic3A_919 : i32 to vector<16xi32>
        %shift_right_arithmetic3A_921 = arith.shrsi %gather3A_906, %shift_right_arithmetic3A_920 : vector<16xi32>
        %and3A_922 = arith.constant 240 : i32
        %and3A_923 = vector.broadcast %and3A_922 : i32 to vector<16xi32>
        %and3A_924 = arith.andi %shift_right_arithmetic3A_921, %and3A_923 : vector<16xi32>
        %shift_right_arithmetic3A_925 = arith.constant 8 : i32
        %shift_right_arithmetic3A_926 = vector.broadcast %shift_right_arithmetic3A_925 : i32 to vector<16xi32>
        %shift_right_arithmetic3A_927 = arith.shrsi %gather3A_906, %shift_right_arithmetic3A_926 : vector<16xi32>
        %and3A_928 = arith.constant 240 : i32
        %and3A_929 = vector.broadcast %and3A_928 : i32 to vector<16xi32>
        %and3A_930 = arith.andi %shift_right_arithmetic3A_927, %and3A_929 : vector<16xi32>
        %add3A_931 = arith.addi %and3A_912, %iota3A : vector<16xi32>
        %gather3A_932 = tpu.vector_load_idx %arg12[%add3A_931] : memref<160xf32, #tpu.memory_space<vmem>>[vector<16xi32>], vector<16xf32>,
        %add3A_933 = arith.addf %add3A_898, %gather3A_932 : vector<16xf32>
        %add3A_934 = arith.addi %and3A_918, %iota3A : vector<16xi32>
        %gather3A_935 = tpu.vector_load_idx %arg12[%add3A_934] : memref<160xf32, #tpu.memory_space<vmem>>[vector<16xi32>], vector<16xf32>,
        %add3A_936 = arith.addf %add3A_933, %gather3A_935 : vector<16xf32>
        %add3A_937 = arith.addi %and3A_924, %iota3A : vector<16xi32>
        %gather3A_938 = tpu.vector_load_idx %arg12[%add3A_937] : memref<160xf32, #tpu.memory_space<vmem>>[vector<16xi32>], vector<16xf32>,
        %add3A_939 = arith.addf %add3A_936, %gather3A_938 : vector<16xf32>
        %add3A_940 = arith.addi %and3A_930, %iota3A : vector<16xi32>
        %gather3A_941 = tpu.vector_load_idx %arg12[%add3A_940] : memref<160xf32, #tpu.memory_space<vmem>>[vector<16xi32>], vector<16xf32>,
        %add3A_942 = arith.addf %add3A_939, %gather3A_941 : vector<16xf32>
        %add3A_943 = arith.addi %add3A_458, %and3A_293 : vector<16xi32>
        %shift_right_arithmetic3A_944 = arith.constant 7 : i32
        %shift_right_arithmetic3A_945 = vector.broadcast %shift_right_arithmetic3A_944 : i32 to vector<16xi32>
        %shift_right_arithmetic3A_946 = arith.shrsi %add3A_943, %shift_right_arithmetic3A_945 : vector<16xi32>
        %and3A_947 = arith.constant 127 : i32
        %and3A_948 = vector.broadcast %and3A_947 : i32 to vector<16xi32>
        %and3A_949 = arith.andi %add3A_943, %and3A_948 : vector<16xi32>
        %gather3A_950 = tpu.vector_load_idx %arg7[%shift_right_arithmetic3A_946, %and3A_949] : memref<200x128xi32, #tpu.memory_space<vmem>>[vector<16xi32>, vector<16xi32>], vector<16xi32>,
        %shift_left3A_951 = arith.constant 4 : i32
        %shift_left3A_952 = vector.broadcast %shift_left3A_951 : i32 to vector<16xi32>
        %shift_left3A_953 = arith.shli %gather3A_950, %shift_left3A_952 : vector<16xi32>
        %and3A_954 = arith.constant 240 : i32
        %and3A_955 = vector.broadcast %and3A_954 : i32 to vector<16xi32>
        %and3A_956 = arith.andi %shift_left3A_953, %and3A_955 : vector<16xi32>
        %shift_right_arithmetic3A_957 = arith.constant 0 : i32
        %shift_right_arithmetic3A_958 = vector.broadcast %shift_right_arithmetic3A_957 : i32 to vector<16xi32>
        %shift_right_arithmetic3A_959 = arith.shrsi %gather3A_950, %shift_right_arithmetic3A_958 : vector<16xi32>
        %and3A_960 = arith.constant 240 : i32
        %and3A_961 = vector.broadcast %and3A_960 : i32 to vector<16xi32>
        %and3A_962 = arith.andi %shift_right_arithmetic3A_959, %and3A_961 : vector<16xi32>
        %shift_right_arithmetic3A_963 = arith.constant 4 : i32
        %shift_right_arithmetic3A_964 = vector.broadcast %shift_right_arithmetic3A_963 : i32 to vector<16xi32>
        %shift_right_arithmetic3A_965 = arith.shrsi %gather3A_950, %shift_right_arithmetic3A_964 : vector<16xi32>
        %and3A_966 = arith.constant 240 : i32
        %and3A_967 = vector.broadcast %and3A_966 : i32 to vector<16xi32>
        %and3A_968 = arith.andi %shift_right_arithmetic3A_965, %and3A_967 : vector<16xi32>
        %shift_right_arithmetic3A_969 = arith.constant 8 : i32
        %shift_right_arithmetic3A_970 = vector.broadcast %shift_right_arithmetic3A_969 : i32 to vector<16xi32>
        %shift_right_arithmetic3A_971 = arith.shrsi %gather3A_950, %shift_right_arithmetic3A_970 : vector<16xi32>
        %and3A_972 = arith.constant 240 : i32
        %and3A_973 = vector.broadcast %and3A_972 : i32 to vector<16xi32>
        %and3A_974 = arith.andi %shift_right_arithmetic3A_971, %and3A_973 : vector<16xi32>
        %add3A_975 = arith.addi %and3A_956, %iota3A : vector<16xi32>
        %gather3A_976 = tpu.vector_load_idx %arg12[%add3A_975] : memref<160xf32, #tpu.memory_space<vmem>>[vector<16xi32>], vector<16xf32>,
        %add3A_977 = arith.addf %add3A_942, %gather3A_976 : vector<16xf32>
        %add3A_978 = arith.addi %and3A_962, %iota3A : vector<16xi32>
        %gather3A_979 = tpu.vector_load_idx %arg12[%add3A_978] : memref<160xf32, #tpu.memory_space<vmem>>[vector<16xi32>], vector<16xf32>,
        %add3A_980 = arith.addf %add3A_977, %gather3A_979 : vector<16xf32>
        %add3A_981 = arith.addi %and3A_968, %iota3A : vector<16xi32>
        %gather3A_982 = tpu.vector_load_idx %arg12[%add3A_981] : memref<160xf32, #tpu.memory_space<vmem>>[vector<16xi32>], vector<16xf32>,
        %add3A_983 = arith.addf %add3A_980, %gather3A_982 : vector<16xf32>
        %add3A_984 = arith.addi %and3A_974, %iota3A : vector<16xi32>
        %gather3A_985 = tpu.vector_load_idx %arg12[%add3A_984] : memref<160xf32, #tpu.memory_space<vmem>>[vector<16xi32>], vector<16xf32>,
        %add3A_986 = arith.addf %add3A_983, %gather3A_985 : vector<16xf32>
        %add3A_987 = arith.addi %add3A_458, %and3A_299 : vector<16xi32>
        %shift_right_arithmetic3A_988 = arith.constant 7 : i32
        %shift_right_arithmetic3A_989 = vector.broadcast %shift_right_arithmetic3A_988 : i32 to vector<16xi32>
        %shift_right_arithmetic3A_990 = arith.shrsi %add3A_987, %shift_right_arithmetic3A_989 : vector<16xi32>
        %and3A_991 = arith.constant 127 : i32
        %and3A_992 = vector.broadcast %and3A_991 : i32 to vector<16xi32>
        %and3A_993 = arith.andi %add3A_987, %and3A_992 : vector<16xi32>
        %gather3A_994 = tpu.vector_load_idx %arg7[%shift_right_arithmetic3A_990, %and3A_993] : memref<200x128xi32, #tpu.memory_space<vmem>>[vector<16xi32>, vector<16xi32>], vector<16xi32>,
        %shift_left3A_995 = arith.constant 4 : i32
        %shift_left3A_996 = vector.broadcast %shift_left3A_995 : i32 to vector<16xi32>
        %shift_left3A_997 = arith.shli %gather3A_994, %shift_left3A_996 : vector<16xi32>
        %and3A_998 = arith.constant 240 : i32
        %and3A_999 = vector.broadcast %and3A_998 : i32 to vector<16xi32>
        %and3A_1000 = arith.andi %shift_left3A_997, %and3A_999 : vector<16xi32>
        %shift_right_arithmetic3A_1001 = arith.constant 0 : i32
        %shift_right_arithmetic3A_1002 = vector.broadcast %shift_right_arithmetic3A_1001 : i32 to vector<16xi32>
        %shift_right_arithmetic3A_1003 = arith.shrsi %gather3A_994, %shift_right_arithmetic3A_1002 : vector<16xi32>
        %and3A_1004 = arith.constant 240 : i32
        %and3A_1005 = vector.broadcast %and3A_1004 : i32 to vector<16xi32>
        %and3A_1006 = arith.andi %shift_right_arithmetic3A_1003, %and3A_1005 : vector<16xi32>
        %shift_right_arithmetic3A_1007 = arith.constant 4 : i32
        %shift_right_arithmetic3A_1008 = vector.broadcast %shift_right_arithmetic3A_1007 : i32 to vector<16xi32>
        %shift_right_arithmetic3A_1009 = arith.shrsi %gather3A_994, %shift_right_arithmetic3A_1008 : vector<16xi32>
        %and3A_1010 = arith.constant 240 : i32
        %and3A_1011 = vector.broadcast %and3A_1010 : i32 to vector<16xi32>
        %and3A_1012 = arith.andi %shift_right_arithmetic3A_1009, %and3A_1011 : vector<16xi32>
        %shift_right_arithmetic3A_1013 = arith.constant 8 : i32
        %shift_right_arithmetic3A_1014 = vector.broadcast %shift_right_arithmetic3A_1013 : i32 to vector<16xi32>
        %shift_right_arithmetic3A_1015 = arith.shrsi %gather3A_994, %shift_right_arithmetic3A_1014 : vector<16xi32>
        %and3A_1016 = arith.constant 240 : i32
        %and3A_1017 = vector.broadcast %and3A_1016 : i32 to vector<16xi32>
        %and3A_1018 = arith.andi %shift_right_arithmetic3A_1015, %and3A_1017 : vector<16xi32>
        %add3A_1019 = arith.addi %and3A_1000, %iota3A : vector<16xi32>
        %gather3A_1020 = tpu.vector_load_idx %arg12[%add3A_1019] : memref<160xf32, #tpu.memory_space<vmem>>[vector<16xi32>], vector<16xf32>,
        %add3A_1021 = arith.addf %add3A_986, %gather3A_1020 : vector<16xf32>
        %add3A_1022 = arith.addi %and3A_1006, %iota3A : vector<16xi32>
        %gather3A_1023 = tpu.vector_load_idx %arg12[%add3A_1022] : memref<160xf32, #tpu.memory_space<vmem>>[vector<16xi32>], vector<16xf32>,
        %add3A_1024 = arith.addf %add3A_1021, %gather3A_1023 : vector<16xf32>
        %add3A_1025 = arith.addi %and3A_1012, %iota3A : vector<16xi32>
        %gather3A_1026 = tpu.vector_load_idx %arg12[%add3A_1025] : memref<160xf32, #tpu.memory_space<vmem>>[vector<16xi32>], vector<16xf32>,
        %add3A_1027 = arith.addf %add3A_1024, %gather3A_1026 : vector<16xf32>
        %add3A_1028 = arith.addi %and3A_1018, %iota3A : vector<16xi32>
        %gather3A_1029 = tpu.vector_load_idx %arg12[%add3A_1028] : memref<160xf32, #tpu.memory_space<vmem>>[vector<16xi32>], vector<16xf32>,
        %add3A_1030 = arith.addf %add3A_1027, %gather3A_1029 : vector<16xf32>
        %add3A_1031 = arith.addi %add3A_458, %and3A_305 : vector<16xi32>
        %shift_right_arithmetic3A_1032 = arith.constant 7 : i32
        %shift_right_arithmetic3A_1033 = vector.broadcast %shift_right_arithmetic3A_1032 : i32 to vector<16xi32>
        %shift_right_arithmetic3A_1034 = arith.shrsi %add3A_1031, %shift_right_arithmetic3A_1033 : vector<16xi32>
        %and3A_1035 = arith.constant 127 : i32
        %and3A_1036 = vector.broadcast %and3A_1035 : i32 to vector<16xi32>
        %and3A_1037 = arith.andi %add3A_1031, %and3A_1036 : vector<16xi32>
        %gather3A_1038 = tpu.vector_load_idx %arg7[%shift_right_arithmetic3A_1034, %and3A_1037] : memref<200x128xi32, #tpu.memory_space<vmem>>[vector<16xi32>, vector<16xi32>], vector<16xi32>,
        %shift_left3A_1039 = arith.constant 4 : i32
        %shift_left3A_1040 = vector.broadcast %shift_left3A_1039 : i32 to vector<16xi32>
        %shift_left3A_1041 = arith.shli %gather3A_1038, %shift_left3A_1040 : vector<16xi32>
        %and3A_1042 = arith.constant 240 : i32
        %and3A_1043 = vector.broadcast %and3A_1042 : i32 to vector<16xi32>
        %and3A_1044 = arith.andi %shift_left3A_1041, %and3A_1043 : vector<16xi32>
        %shift_right_arithmetic3A_1045 = arith.constant 0 : i32
        %shift_right_arithmetic3A_1046 = vector.broadcast %shift_right_arithmetic3A_1045 : i32 to vector<16xi32>
        %shift_right_arithmetic3A_1047 = arith.shrsi %gather3A_1038, %shift_right_arithmetic3A_1046 : vector<16xi32>
        %and3A_1048 = arith.constant 240 : i32
        %and3A_1049 = vector.broadcast %and3A_1048 : i32 to vector<16xi32>
        %and3A_1050 = arith.andi %shift_right_arithmetic3A_1047, %and3A_1049 : vector<16xi32>
        %shift_right_arithmetic3A_1051 = arith.constant 4 : i32
        %shift_right_arithmetic3A_1052 = vector.broadcast %shift_right_arithmetic3A_1051 : i32 to vector<16xi32>
        %shift_right_arithmetic3A_1053 = arith.shrsi %gather3A_1038, %shift_right_arithmetic3A_1052 : vector<16xi32>
        %and3A_1054 = arith.constant 240 : i32
        %and3A_1055 = vector.broadcast %and3A_1054 : i32 to vector<16xi32>
        %and3A_1056 = arith.andi %shift_right_arithmetic3A_1053, %and3A_1055 : vector<16xi32>
        %shift_right_arithmetic3A_1057 = arith.constant 8 : i32
        %shift_right_arithmetic3A_1058 = vector.broadcast %shift_right_arithmetic3A_1057 : i32 to vector<16xi32>
        %shift_right_arithmetic3A_1059 = arith.shrsi %gather3A_1038, %shift_right_arithmetic3A_1058 : vector<16xi32>
        %and3A_1060 = arith.constant 240 : i32
        %and3A_1061 = vector.broadcast %and3A_1060 : i32 to vector<16xi32>
        %and3A_1062 = arith.andi %shift_right_arithmetic3A_1059, %and3A_1061 : vector<16xi32>
        %add3A_1063 = arith.addi %and3A_1044, %iota3A : vector<16xi32>
        %gather3A_1064 = tpu.vector_load_idx %arg12[%add3A_1063] : memref<160xf32, #tpu.memory_space<vmem>>[vector<16xi32>], vector<16xf32>,
        %add3A_1065 = arith.addf %add3A_1030, %gather3A_1064 : vector<16xf32>
        %add3A_1066 = arith.addi %and3A_1050, %iota3A : vector<16xi32>
        %gather3A_1067 = tpu.vector_load_idx %arg12[%add3A_1066] : memref<160xf32, #tpu.memory_space<vmem>>[vector<16xi32>], vector<16xf32>,
        %add3A_1068 = arith.addf %add3A_1065, %gather3A_1067 : vector<16xf32>
        %add3A_1069 = arith.addi %and3A_1056, %iota3A : vector<16xi32>
        %gather3A_1070 = tpu.vector_load_idx %arg12[%add3A_1069] : memref<160xf32, #tpu.memory_space<vmem>>[vector<16xi32>], vector<16xf32>,
        %add3A_1071 = arith.addf %add3A_1068, %gather3A_1070 : vector<16xf32>
        %add3A_1072 = arith.addi %and3A_1062, %iota3A : vector<16xi32>
        %gather3A_1073 = tpu.vector_load_idx %arg12[%add3A_1072] : memref<160xf32, #tpu.memory_space<vmem>>[vector<16xi32>], vector<16xf32>,
        %add3A_1074 = arith.addf %add3A_1071, %gather3A_1073 : vector<16xf32>
        %add3A_1075 = arith.addi %add3A_458, %and3A_311 : vector<16xi32>
        %shift_right_arithmetic3A_1076 = arith.constant 7 : i32
        %shift_right_arithmetic3A_1077 = vector.broadcast %shift_right_arithmetic3A_1076 : i32 to vector<16xi32>
        %shift_right_arithmetic3A_1078 = arith.shrsi %add3A_1075, %shift_right_arithmetic3A_1077 : vector<16xi32>
        %and3A_1079 = arith.constant 127 : i32
        %and3A_1080 = vector.broadcast %and3A_1079 : i32 to vector<16xi32>
        %and3A_1081 = arith.andi %add3A_1075, %and3A_1080 : vector<16xi32>
        %gather3A_1082 = tpu.vector_load_idx %arg7[%shift_right_arithmetic3A_1078, %and3A_1081] : memref<200x128xi32, #tpu.memory_space<vmem>>[vector<16xi32>, vector<16xi32>], vector<16xi32>,
        %shift_left3A_1083 = arith.constant 4 : i32
        %shift_left3A_1084 = vector.broadcast %shift_left3A_1083 : i32 to vector<16xi32>
        %shift_left3A_1085 = arith.shli %gather3A_1082, %shift_left3A_1084 : vector<16xi32>
        %and3A_1086 = arith.constant 240 : i32
        %and3A_1087 = vector.broadcast %and3A_1086 : i32 to vector<16xi32>
        %and3A_1088 = arith.andi %shift_left3A_1085, %and3A_1087 : vector<16xi32>
        %shift_right_arithmetic3A_1089 = arith.constant 0 : i32
        %shift_right_arithmetic3A_1090 = vector.broadcast %shift_right_arithmetic3A_1089 : i32 to vector<16xi32>
        %shift_right_arithmetic3A_1091 = arith.shrsi %gather3A_1082, %shift_right_arithmetic3A_1090 : vector<16xi32>
        %and3A_1092 = arith.constant 240 : i32
        %and3A_1093 = vector.broadcast %and3A_1092 : i32 to vector<16xi32>
        %and3A_1094 = arith.andi %shift_right_arithmetic3A_1091, %and3A_1093 : vector<16xi32>
        %shift_right_arithmetic3A_1095 = arith.constant 4 : i32
        %shift_right_arithmetic3A_1096 = vector.broadcast %shift_right_arithmetic3A_1095 : i32 to vector<16xi32>
        %shift_right_arithmetic3A_1097 = arith.shrsi %gather3A_1082, %shift_right_arithmetic3A_1096 : vector<16xi32>
        %and3A_1098 = arith.constant 240 : i32
        %and3A_1099 = vector.broadcast %and3A_1098 : i32 to vector<16xi32>
        %and3A_1100 = arith.andi %shift_right_arithmetic3A_1097, %and3A_1099 : vector<16xi32>
        %shift_right_arithmetic3A_1101 = arith.constant 8 : i32
        %shift_right_arithmetic3A_1102 = vector.broadcast %shift_right_arithmetic3A_1101 : i32 to vector<16xi32>
        %shift_right_arithmetic3A_1103 = arith.shrsi %gather3A_1082, %shift_right_arithmetic3A_1102 : vector<16xi32>
        %and3A_1104 = arith.constant 240 : i32
        %and3A_1105 = vector.broadcast %and3A_1104 : i32 to vector<16xi32>
        %and3A_1106 = arith.andi %shift_right_arithmetic3A_1103, %and3A_1105 : vector<16xi32>
        %add3A_1107 = arith.addi %and3A_1088, %iota3A : vector<16xi32>
        %gather3A_1108 = tpu.vector_load_idx %arg12[%add3A_1107] : memref<160xf32, #tpu.memory_space<vmem>>[vector<16xi32>], vector<16xf32>,
        %add3A_1109 = arith.addf %add3A_1074, %gather3A_1108 : vector<16xf32>
        %add3A_1110 = arith.addi %and3A_1094, %iota3A : vector<16xi32>
        %gather3A_1111 = tpu.vector_load_idx %arg12[%add3A_1110] : memref<160xf32, #tpu.memory_space<vmem>>[vector<16xi32>], vector<16xf32>,
        %add3A_1112 = arith.addf %add3A_1109, %gather3A_1111 : vector<16xf32>
        %add3A_1113 = arith.addi %and3A_1100, %iota3A : vector<16xi32>
        %gather3A_1114 = tpu.vector_load_idx %arg12[%add3A_1113] : memref<160xf32, #tpu.memory_space<vmem>>[vector<16xi32>], vector<16xf32>,
        %add3A_1115 = arith.addf %add3A_1112, %gather3A_1114 : vector<16xf32>
        %add3A_1116 = arith.addi %and3A_1106, %iota3A : vector<16xi32>
        %gather3A_1117 = tpu.vector_load_idx %arg12[%add3A_1116] : memref<160xf32, #tpu.memory_space<vmem>>[vector<16xi32>], vector<16xf32>,
        %add3A_1118 = arith.addf %add3A_1115, %gather3A_1117 : vector<16xf32>
        %add3A_1119 = arith.addi %add3A_458, %and3A_317 : vector<16xi32>
        %shift_right_arithmetic3A_1120 = arith.constant 7 : i32
        %shift_right_arithmetic3A_1121 = vector.broadcast %shift_right_arithmetic3A_1120 : i32 to vector<16xi32>
        %shift_right_arithmetic3A_1122 = arith.shrsi %add3A_1119, %shift_right_arithmetic3A_1121 : vector<16xi32>
        %and3A_1123 = arith.constant 127 : i32
        %and3A_1124 = vector.broadcast %and3A_1123 : i32 to vector<16xi32>
        %and3A_1125 = arith.andi %add3A_1119, %and3A_1124 : vector<16xi32>
        %gather3A_1126 = tpu.vector_load_idx %arg7[%shift_right_arithmetic3A_1122, %and3A_1125] : memref<200x128xi32, #tpu.memory_space<vmem>>[vector<16xi32>, vector<16xi32>], vector<16xi32>,
        %shift_left3A_1127 = arith.constant 4 : i32
        %shift_left3A_1128 = vector.broadcast %shift_left3A_1127 : i32 to vector<16xi32>
        %shift_left3A_1129 = arith.shli %gather3A_1126, %shift_left3A_1128 : vector<16xi32>
        %and3A_1130 = arith.constant 240 : i32
        %and3A_1131 = vector.broadcast %and3A_1130 : i32 to vector<16xi32>
        %and3A_1132 = arith.andi %shift_left3A_1129, %and3A_1131 : vector<16xi32>
        %shift_right_arithmetic3A_1133 = arith.constant 0 : i32
        %shift_right_arithmetic3A_1134 = vector.broadcast %shift_right_arithmetic3A_1133 : i32 to vector<16xi32>
        %shift_right_arithmetic3A_1135 = arith.shrsi %gather3A_1126, %shift_right_arithmetic3A_1134 : vector<16xi32>
        %and3A_1136 = arith.constant 240 : i32
        %and3A_1137 = vector.broadcast %and3A_1136 : i32 to vector<16xi32>
        %and3A_1138 = arith.andi %shift_right_arithmetic3A_1135, %and3A_1137 : vector<16xi32>
        %shift_right_arithmetic3A_1139 = arith.constant 4 : i32
        %shift_right_arithmetic3A_1140 = vector.broadcast %shift_right_arithmetic3A_1139 : i32 to vector<16xi32>
        %shift_right_arithmetic3A_1141 = arith.shrsi %gather3A_1126, %shift_right_arithmetic3A_1140 : vector<16xi32>
        %and3A_1142 = arith.constant 240 : i32
        %and3A_1143 = vector.broadcast %and3A_1142 : i32 to vector<16xi32>
        %and3A_1144 = arith.andi %shift_right_arithmetic3A_1141, %and3A_1143 : vector<16xi32>
        %shift_right_arithmetic3A_1145 = arith.constant 8 : i32
        %shift_right_arithmetic3A_1146 = vector.broadcast %shift_right_arithmetic3A_1145 : i32 to vector<16xi32>
        %shift_right_arithmetic3A_1147 = arith.shrsi %gather3A_1126, %shift_right_arithmetic3A_1146 : vector<16xi32>
        %and3A_1148 = arith.constant 240 : i32
        %and3A_1149 = vector.broadcast %and3A_1148 : i32 to vector<16xi32>
        %and3A_1150 = arith.andi %shift_right_arithmetic3A_1147, %and3A_1149 : vector<16xi32>
        %add3A_1151 = arith.addi %and3A_1132, %iota3A : vector<16xi32>
        %gather3A_1152 = tpu.vector_load_idx %arg12[%add3A_1151] : memref<160xf32, #tpu.memory_space<vmem>>[vector<16xi32>], vector<16xf32>,
        %add3A_1153 = arith.addf %add3A_1118, %gather3A_1152 : vector<16xf32>
        %add3A_1154 = arith.addi %and3A_1138, %iota3A : vector<16xi32>
        %gather3A_1155 = tpu.vector_load_idx %arg12[%add3A_1154] : memref<160xf32, #tpu.memory_space<vmem>>[vector<16xi32>], vector<16xf32>,
        %add3A_1156 = arith.addf %add3A_1153, %gather3A_1155 : vector<16xf32>
        %add3A_1157 = arith.addi %and3A_1144, %iota3A : vector<16xi32>
        %gather3A_1158 = tpu.vector_load_idx %arg12[%add3A_1157] : memref<160xf32, #tpu.memory_space<vmem>>[vector<16xi32>], vector<16xf32>,
        %add3A_1159 = arith.addf %add3A_1156, %gather3A_1158 : vector<16xf32>
        %add3A_1160 = arith.addi %and3A_1150, %iota3A : vector<16xi32>
        %gather3A_1161 = tpu.vector_load_idx %arg12[%add3A_1160] : memref<160xf32, #tpu.memory_space<vmem>>[vector<16xi32>], vector<16xf32>,
        %add3A_1162 = arith.addf %add3A_1159, %gather3A_1161 : vector<16xf32>
        scf.yield %add3A_1162 : vector<16xf32>
      }
      %scan3A_353 = arith.constant 3 : i32
      %add3A_354 = arith.constant 48 : i32
      %add3A_355 = vector.broadcast %add3A_354 : i32 to vector<16xi32>
      %add3A_356 = arith.addi %mul3A_347, %add3A_355 : vector<16xi32>
      %and3A_357 = arith.constant 1 : i32
      %and3A_358 = vector.broadcast %and3A_357 : i32 to vector<16xi32>
      %and3A_359 = arith.andi %and3A_227, %and3A_358 : vector<16xi32>
      %add3A_360 = arith.addi %add3A_356, %and3A_359 : vector<16xi32>
      %shift_right_arithmetic3A = arith.constant 7 : i32
      %shift_right_arithmetic3A_361 = vector.broadcast %shift_right_arithmetic3A : i32 to vector<16xi32>
      %shift_right_arithmetic3A_362 = arith.shrsi %add3A_360, %shift_right_arithmetic3A_361 : vector<16xi32>
      %and3A_363 = arith.constant 127 : i32
      %and3A_364 = vector.broadcast %and3A_363 : i32 to vector<16xi32>
      %and3A_365 = arith.andi %add3A_360, %and3A_364 : vector<16xi32>
      %gather3A_366 = tpu.vector_load_idx %arg7[%shift_right_arithmetic3A_362, %and3A_365] : memref<200x128xi32, #tpu.memory_space<vmem>>[vector<16xi32>, vector<16xi32>], vector<16xi32>,
      %shift_left3A = arith.constant 4 : i32
      %shift_left3A_367 = vector.broadcast %shift_left3A : i32 to vector<16xi32>
      %shift_left3A_368 = arith.shli %gather3A_366, %shift_left3A_367 : vector<16xi32>
      %and3A_369 = arith.constant 240 : i32
      %and3A_370 = vector.broadcast %and3A_369 : i32 to vector<16xi32>
      %and3A_371 = arith.andi %shift_left3A_368, %and3A_370 : vector<16xi32>
      %shift_right_arithmetic3A_372 = arith.constant 0 : i32
      %shift_right_arithmetic3A_373 = vector.broadcast %shift_right_arithmetic3A_372 : i32 to vector<16xi32>
      %shift_right_arithmetic3A_374 = arith.shrsi %gather3A_366, %shift_right_arithmetic3A_373 : vector<16xi32>
      %and3A_375 = arith.constant 240 : i32
      %and3A_376 = vector.broadcast %and3A_375 : i32 to vector<16xi32>
      %and3A_377 = arith.andi %shift_right_arithmetic3A_374, %and3A_376 : vector<16xi32>
      %shift_right_arithmetic3A_378 = arith.constant 4 : i32
      %shift_right_arithmetic3A_379 = vector.broadcast %shift_right_arithmetic3A_378 : i32 to vector<16xi32>
      %shift_right_arithmetic3A_380 = arith.shrsi %gather3A_366, %shift_right_arithmetic3A_379 : vector<16xi32>
      %and3A_381 = arith.constant 240 : i32
      %and3A_382 = vector.broadcast %and3A_381 : i32 to vector<16xi32>
      %and3A_383 = arith.andi %shift_right_arithmetic3A_380, %and3A_382 : vector<16xi32>
      %shift_right_arithmetic3A_384 = arith.constant 8 : i32
      %shift_right_arithmetic3A_385 = vector.broadcast %shift_right_arithmetic3A_384 : i32 to vector<16xi32>
      %shift_right_arithmetic3A_386 = arith.shrsi %gather3A_366, %shift_right_arithmetic3A_385 : vector<16xi32>
      %and3A_387 = arith.constant 240 : i32
      %and3A_388 = vector.broadcast %and3A_387 : i32 to vector<16xi32>
      %and3A_389 = arith.andi %shift_right_arithmetic3A_386, %and3A_388 : vector<16xi32>
      %add3A_390 = arith.addi %and3A_371, %iota3A : vector<16xi32>
      %gather3A_391 = tpu.vector_load_idx %arg12[%add3A_390] : memref<160xf32, #tpu.memory_space<vmem>>[vector<16xi32>], vector<16xf32>,
      %add3A_392 = arith.addf %scan3A_352, %gather3A_391 : vector<16xf32>
      %add3A_393 = arith.addi %and3A_377, %iota3A : vector<16xi32>
      %gather3A_394 = tpu.vector_load_idx %arg12[%add3A_393] : memref<160xf32, #tpu.memory_space<vmem>>[vector<16xi32>], vector<16xf32>,
      %add3A_395 = arith.addf %add3A_392, %gather3A_394 : vector<16xf32>
      %add3A_396 = arith.addi %and3A_383, %iota3A : vector<16xi32>
      %gather3A_397 = tpu.vector_load_idx %arg12[%add3A_396] : memref<160xf32, #tpu.memory_space<vmem>>[vector<16xi32>], vector<16xf32>,
      %add3A_398 = arith.addf %add3A_395, %gather3A_397 : vector<16xf32>
      %add3A_399 = arith.addi %and3A_389, %iota3A : vector<16xi32>
      %gather3A_400 = tpu.vector_load_idx %arg12[%add3A_399] : memref<160xf32, #tpu.memory_space<vmem>>[vector<16xi32>], vector<16xf32>,
      %add3A_401 = arith.addf %add3A_398, %gather3A_400 : vector<16xf32>
      %and3A_402 = arith.constant 1 : i32
      %and3A_403 = vector.broadcast %and3A_402 : i32 to vector<16xi32>
      %and3A_404 = arith.andi %and3A_233, %and3A_403 : vector<16xi32>
      %add3A_405 = arith.addi %add3A_356, %and3A_404 : vector<16xi32>
      %shift_right_arithmetic3A_406 = arith.constant 7 : i32
      %shift_right_arithmetic3A_407 = vector.broadcast %shift_right_arithmetic3A_406 : i32 to vector<16xi32>
      %shift_right_arithmetic3A_408 = arith.shrsi %add3A_405, %shift_right_arithmetic3A_407 : vector<16xi32>
      %and3A_409 = arith.constant 127 : i32
      %and3A_410 = vector.broadcast %and3A_409 : i32 to vector<16xi32>
      %and3A_411 = arith.andi %add3A_405, %and3A_410 : vector<16xi32>
      %gather3A_412 = tpu.vector_load_idx %arg7[%shift_right_arithmetic3A_408, %and3A_411] : memref<200x128xi32, #tpu.memory_space<vmem>>[vector<16xi32>, vector<16xi32>], vector<16xi32>,
      %shift_left3A_413 = arith.constant 4 : i32
      %shift_left3A_414 = vector.broadcast %shift_left3A_413 : i32 to vector<16xi32>
      %shift_left3A_415 = arith.shli %gather3A_412, %shift_left3A_414 : vector<16xi32>
      %and3A_416 = arith.constant 240 : i32
      %and3A_417 = vector.broadcast %and3A_416 : i32 to vector<16xi32>
      %and3A_418 = arith.andi %shift_left3A_415, %and3A_417 : vector<16xi32>
      %shift_right_arithmetic3A_419 = arith.constant 0 : i32
      %shift_right_arithmetic3A_420 = vector.broadcast %shift_right_arithmetic3A_419 : i32 to vector<16xi32>
      %shift_right_arithmetic3A_421 = arith.shrsi %gather3A_412, %shift_right_arithmetic3A_420 : vector<16xi32>
      %and3A_422 = arith.constant 240 : i32
      %and3A_423 = vector.broadcast %and3A_422 : i32 to vector<16xi32>
      %and3A_424 = arith.andi %shift_right_arithmetic3A_421, %and3A_423 : vector<16xi32>
      %shift_right_arithmetic3A_425 = arith.constant 4 : i32
      %shift_right_arithmetic3A_426 = vector.broadcast %shift_right_arithmetic3A_425 : i32 to vector<16xi32>
      %shift_right_arithmetic3A_427 = arith.shrsi %gather3A_412, %shift_right_arithmetic3A_426 : vector<16xi32>
      %and3A_428 = arith.constant 240 : i32
      %and3A_429 = vector.broadcast %and3A_428 : i32 to vector<16xi32>
      %and3A_430 = arith.andi %shift_right_arithmetic3A_427, %and3A_429 : vector<16xi32>
      %shift_right_arithmetic3A_431 = arith.constant 8 : i32
      %shift_right_arithmetic3A_432 = vector.broadcast %shift_right_arithmetic3A_431 : i32 to vector<16xi32>
      %shift_right_arithmetic3A_433 = arith.shrsi %gather3A_412, %shift_right_arithmetic3A_432 : vector<16xi32>
      %and3A_434 = arith.constant 240 : i32
      %and3A_435 = vector.broadcast %and3A_434 : i32 to vector<16xi32>
      %and3A_436 = arith.andi %shift_right_arithmetic3A_433, %and3A_435 : vector<16xi32>
      %add3A_437 = arith.addi %and3A_418, %iota3A : vector<16xi32>
      %gather3A_438 = tpu.vector_load_idx %arg12[%add3A_437] : memref<160xf32, #tpu.memory_space<vmem>>[vector<16xi32>], vector<16xf32>,
      %add3A_439 = arith.addf %add3A_401, %gather3A_438 : vector<16xf32>
      %add3A_440 = arith.addi %and3A_424, %iota3A : vector<16xi32>
      %gather3A_441 = tpu.vector_load_idx %arg12[%add3A_440] : memref<160xf32, #tpu.memory_space<vmem>>[vector<16xi32>], vector<16xf32>,
      %add3A_442 = arith.addf %add3A_439, %gather3A_441 : vector<16xf32>
      %add3A_443 = arith.addi %and3A_430, %iota3A : vector<16xi32>
      %gather3A_444 = tpu.vector_load_idx %arg12[%add3A_443] : memref<160xf32, #tpu.memory_space<vmem>>[vector<16xi32>], vector<16xf32>,
      %add3A_445 = arith.addf %add3A_442, %gather3A_444 : vector<16xf32>
      %add3A_446 = arith.addi %and3A_436, %iota3A : vector<16xi32>
      %gather3A_447 = tpu.vector_load_idx %arg12[%add3A_446] : memref<160xf32, #tpu.memory_space<vmem>>[vector<16xi32>], vector<16xf32>,
      %add3A_448 = arith.addf %add3A_445, %gather3A_447 : vector<16xf32>
      %mul3A_449 = arith.constant 16 : i32
      %mul3A_450 = arith.muli %scan3A_340, %mul3A_449 : i32
      %swap3A_451 = arith.index_cast %mul3A_450 : i32 to index
      %swap3A_452 = tpu.vector_load %arg8[%swap3A_451] {strides = array<i32>} : memref<512xf32, #tpu.memory_space<vmem>>, vector<16xf32>,
      tpu.vector_store %arg8[%swap3A_451], %add3A_448 {strides = array<i32>} : memref<512xf32, #tpu.memory_space<vmem>>, vector<16xf32>,
    }
    %scan3A_337 = arith.constant 32 : i32
    %mul3A_338 = arith.constant 512 : i32
    %mul3A_339 = arith.muli %add3A, %mul3A_338 : i32
    "tpu.region"() ({
      %run_scoped3A = tpu.sem_alloc : memref<!tpu.dma_semaphore, #tpu.memory_space<semaphore_mem>>
      %dma_start3A_340 = tpu.memref_slice %arg6[%mul3A_339] : memref<16384xf32, #tpu.memory_space<hbm>> -> memref<512xf32, #tpu.memory_space<hbm>>
      %dma_start3A_341 = tpu.memref_slice %arg6[%mul3A_339] : memref<16384xf32, #tpu.memory_space<hbm>> -> memref<512xf32, #tpu.memory_space<hbm>>
      tpu.enqueue_dma source(%arg8 : memref<512xf32, #tpu.memory_space<vmem>>) target(%dma_start3A_341 : memref<512xf32, #tpu.memory_space<hbm>>) target_semaphore(%run_scoped3A : memref<!tpu.dma_semaphore, #tpu.memory_space<semaphore_mem>>)
      %dma_wait3A_342 = tpu.memref_slice %arg6[%mul3A_339] : memref<16384xf32, #tpu.memory_space<hbm>> -> memref<512xf32, #tpu.memory_space<hbm>>
      %dma_wait3A_343 = tpu.memref_slice %arg6[%mul3A_339] : memref<16384xf32, #tpu.memory_space<hbm>> -> memref<512xf32, #tpu.memory_space<hbm>>
      tpu.wait_dma2 semaphore(%run_scoped3A : memref<!tpu.dma_semaphore, #tpu.memory_space<semaphore_mem>>) src(%arg8 : memref<512xf32, #tpu.memory_space<vmem>>) dst(%dma_wait3A_343 : memref<512xf32, #tpu.memory_space<hbm>>)
      tpu.yield
    }) : () -> ()
    return
  }
}

</mosaic_0001>

<sc_bundles>
// kernel: _run.3.cloned.1.call-start
scs
__scs_entry_jumppad:
0x0: {  	(pc) =	sbr.rel $0x88, $3  }
0x1: {  	(tag) =	ssettag $0x0;
	lr =	simm.s32 $0x1  }
0x2: {  	[smem:$0x3F9D] =	sst lr;
	_ =	strace $0xD0000000  }
0x3: {  	_ = 	snop  }
0x4: {  	_ = 	snop  }
0x5: {  	_ = 	snop  }
0x6: {  	_ = 	snop  }
0x7: {  	_ = 	snop  }
__scs_overlays_trampoline_lowered:
0x8: {  	[smem:$0x3FAC] =	sst s0  }
0x9: {  	[smem:$0x3FAD] =	sst s1  }
0xa: {  	[smem:$0x3FAE] =	sst s2  }
0xb: {  	[smem:$0x3FAF] =	sst s3  }
0xc: {  	[smem:$0x3FB0] =	sst s4  }
0xd: {  	[smem:$0x3FB1] =	sst s5  }
0xe: {  	[smem:$0x3FB2] =	sst s6  }
0xf: {  	[smem:$0x3FB3] =	sst s7  }
0x10: {  	[smem:$0x3FB4] =	sst s8  }
0x11: {  	[smem:$0x3FB5] =	sst s9;
	s0 =	simm.s32 @!p0 $0x0  }
0x12: {  	s1 =	sld [smem:$0x3F9B];
	s0 =	simm.s32 @p0 $0x1  }
0x13: {  	[smem:$0x3FB6] =	sst s0;
	s0 =	simm.s32 @!p1 $0x0  }
0x14: {  	s2 =	sld [smem:$0x3F9A];
	s0 =	simm.s32 @p1 $0x1  }
0x15: {  	[smem:$0x3FB7] =	sst s0;
	s0 =	simm.s32 @!p2 $0x0  }
0x16: {  	s3 =	sld [smem:$0x3FDB];
	s0 =	simm.s32 @p2 $0x1  }
0x17: {  	s4 =	simm.s32 $0x1BF5;
	[smem:$0x3FB9] =	sst s0  }
0x18: {  	s0 =	sld [smem:$0x3F9C];
	_ =	swait.ge [sflag:s4], $0x0  }
0x19: {  	s7 =	sld [smem:$0x3F9D]  }
0x1a: {  	s8 =	sadd.s32 $0xFFFFE003, lr  }
0x1b: {  	s9 =	sadd.s32 $0xFFFFFEF7, lr;
	s5 =	simm.s32 $0xFFFFFFFF;
	p2 =	slt.u32 s8, $0xFFFFF086  }
0x1c: {  	p1 =	slt.u32 s9, $0xF7A;
	s5 =	simm.s32 @!p2 $0x0  }
0x1d: {  	s5 =	simm.s32 @p1 $0x1;
	p0 =	seq.s32 s7, s2  }
0x1e: {  	s7 =	smul.u32 @!p0 $0xF7A, s2;
	p2 =	seq.s32 @!p0 s5, $0x0  }
0x1f: {  	s9 =	smul.u32 $0xF7A, s1;
	s8 =	simm.s32 @!p0 $0x1BF5;
	p2 =	por !p2, p0  }
0x20: {  	[sflag:s8] =	ssyncset.s32 @!p0 $0xFFFFF086;
	s6 =	sadd.s32 @!p0 s3, s7;
	s7 =	simm.s32 @!p0 $0x108  }
0x21: {  	s3 =	sadd.s32 s3, s9;
	s6 =	sadd.s32 @!p0 $0x88, s6;
	s7 =	simm.s32 @p2 $0x1082  }
0x22: {  	[simem:s7], [sflag:s8] =	dma.local @!p0 [hbm:s6], $0xF7A  }
0x23: {  	s9 =	sor.u32 $0xD0000000, s2;
	s6 =	simm.s32 $0x108;
	_ =	swait.ge @!p0 [sflag:s8], $0x0  }
0x24: {  	s3 =	sadd.s32 $0x88, s3;
	s6 =	simm.s32 @!p1 $0x1082;
	[sflag:s4] =	ssyncset.s32 $0xFFFFF086  }
0x25: {  	[simem:s6], [sflag:s4] =	dma.local [hbm:s3], $0xF7A  }
0x26: {  	[smem:$0x3F9D] =	sst s1;
	(tag) =	ssettag s2;
	_ =	strace s9  }
0x27: {  	s1 =	sld [smem:$0x3FAD]  }
0x28: {  	s2 =	sld [smem:$0x3FAE]  }
0x29: {  	s4 =	sld [smem:$0x3FB0]  }
0x2a: {  	p0 =	seq.s32 s5, $0x0;
	s5 =	sld [smem:$0x3FB1]  }
0x2b: {  	s6 =	sld [smem:$0x3FB2]  }
0x2c: {  	s7 =	sld [smem:$0x3FB3]  }
0x2d: {  	s3 =	simm.s32 $0x108;
	s8 =	sld [smem:$0x3FB4]  }
0x2e: {  	s3 =	simm.s32 @!p0 $0x1082;
	s9 =	sld [smem:$0x3FB5]  }
0x2f: {  	lr =	sadd.s32 s0, s3;
	s0 =	sld [smem:$0x3FAC]  }
0x30: {  	s3 =	sld [smem:$0x3FAF]  }
0x31: {  	[smem:$0x3FB8] =	sst s10  }
0x32: {  	s10 =	sld [smem:$0x3FB6];
	_ =	sdelay $0x3  }
0x33: {  	p0 =	seq.s32 s10, $0x1;
	s10 =	sld [smem:$0x3FB8];
	_ =	sdelay $0x3  }
0x34: {  	[smem:$0x3FB8] =	sst s10  }
0x35: {  	s10 =	sld [smem:$0x3FB7];
	_ =	sdelay $0x3  }
0x36: {  	p1 =	seq.s32 s10, $0x1;
	s10 =	sld [smem:$0x3FB8];
	_ =	sdelay $0x3  }
0x37: {  	[smem:$0x3FB8] =	sst s10  }
0x38: {  	s10 =	sld [smem:$0x3FB9]  }
0x39: {  	_ = 	snop;
	(pc) =	sbr.ind lr, $3  }
0x3a: {  	_ = 	snop  }
0x3b: {  	_ = 	snop  }
0x3c: {  	p2 =	seq.s32 s10, $0x1;
	s10 =	sld [smem:$0x3FB8]  }
0x3d: {  	_ =	shalt  }
0x3e: {  	_ =	shalt  }
0x3f: {  	_ =	shalt  }
0x40: {  	_ =	shalt  }
0x41: {  	_ =	shalt  }
0x42: {  	_ =	shalt  }
0x43: {  	_ =	shalt  }
0x44: {  	_ =	shalt  }
0x45: {  	_ =	shalt  }
0x46: {  	_ =	shalt  }
0x47: {  	_ =	shalt  }
0x48: {  	_ =	shalt  }
0x49: {  	_ =	shalt  }
0x4a: {  	_ =	shalt  }
0x4b: {  	_ =	shalt  }
0x4c: {  	_ =	shalt  }
0x4d: {  	_ =	shalt  }
0x4e: {  	_ =	shalt  }
0x4f: {  	_ =	shalt  }
0x50: {  	_ =	shalt  }
0x51: {  	_ =	shalt  }
0x52: {  	_ =	shalt  }
0x53: {  	_ =	shalt  }
0x54: {  	_ =	shalt  }
0x55: {  	_ =	shalt  }
0x56: {  	_ =	shalt  }
0x57: {  	_ =	shalt  }
0x58: {  	_ =	shalt  }
0x59: {  	_ =	shalt  }
0x5a: {  	_ =	shalt  }
0x5b: {  	_ =	shalt  }
0x5c: {  	_ =	shalt  }
0x5d: {  	_ =	shalt  }
0x5e: {  	_ =	shalt  }
0x5f: {  	_ =	shalt  }
0x60: {  	_ =	shalt  }
0x61: {  	_ =	shalt  }
0x62: {  	_ =	shalt  }
0x63: {  	_ =	shalt  }
0x64: {  	_ =	shalt  }
0x65: {  	_ =	shalt  }
0x66: {  	_ =	shalt  }
0x67: {  	_ =	shalt  }
0x68: {  	_ =	shalt  }
0x69: {  	_ =	shalt  }
0x6a: {  	_ =	shalt  }
0x6b: {  	_ =	shalt  }
0x6c: {  	_ =	shalt  }
0x6d: {  	_ =	shalt  }
0x6e: {  	_ =	shalt  }
0x6f: {  	_ =	shalt  }
0x70: {  	_ =	shalt  }
0x71: {  	_ =	shalt  }
0x72: {  	_ =	shalt  }
0x73: {  	_ =	shalt  }
0x74: {  	_ =	shalt  }
0x75: {  	_ =	shalt  }
0x76: {  	_ =	shalt  }
0x77: {  	_ =	shalt  }
0x78: {  	_ =	shalt  }
0x79: {  	_ =	shalt  }
0x7a: {  	_ =	shalt  }
0x7b: {  	_ =	shalt  }
0x7c: {  	_ =	shalt  }
0x7d: {  	_ =	shalt  }
0x7e: {  	_ =	shalt  }
0x7f: {  	_ =	shalt  }
0x80: {  	_ =	shalt  }
0x81: {  	_ =	shalt  }
0x82: {  	_ =	shalt  }
0x83: {  	_ =	shalt  }
0x84: {  	_ =	shalt  }
0x85: {  	_ =	shalt  }
0x86: {  	_ =	shalt  }
0x87: {  	_ =	shalt  }
.Lfunc_end0:
.L_simem_size_0:
called_computation_lowered:
.L_overlay_start_0:
0x88: {  	s2 =	sld [smem:$0x3FD9]  }
0x89: {  	s3 =	sld [smem:$0x3FFE];
	_ =	sdelay $0x1  }
0x8a: {  	s1 =	srdreg.scid  }
0x8b: {  	s0 =	sand.u32 $0x1, s1  }
0x8c: {  	s18 =	sshll.u32 s0, $0xA;
	s2 =	sadd.s32 s3, s2  }
0x8d: {  	s2 =	sadd.s32 s2, s18  }
0x8e: {  	[smem:$0x3FC4] =	sst s2  }
0x8f: {  	_ = 	snop  }
0x90: {  	s2 =	sld [smem:$0x3FC9]  }
0x91: {  	s19 =	sld [smem:$0x3FC8]  }
0x92: {  	s4 =	sld [smem:$0x3FC7]  }
0x93: {  	s5 =	sld [smem:$0x3FC6]  }
0x94: {  	s6 =	sld [smem:$0x3FD0];
	(tm) =	ssettm $0x1  }
0x95: {  	s7 =	sld [smem:$0x3FFB];
	_ =	sdelay $0x3  }
0x96: {  	_ =	strace s7  }
0x97: {  	s7 =	sld [smem:$0x3FFC];
	_ =	sdelay $0x3  }
0x98: {  	_ =	strace s7  }
0x99: {  	s7 =	sld [smem:$0x3FFD];
	_ =	sdelay $0x3  }
0x9a: {  	_ =	strace s7  }
0x9b: {  	_ =	strace $0x8FFFFFFF  }
0x9c: {  	s20 =	sld [smem:$0x3FDB];
	_ =	sdelay $0x1  }
0x9d: {  	s8 =	simm.s32 $_scs_section_size  }
0x9e: {  	s9 =	simm.s32 $_size__tile_overlayer_lowered;
	s10 =	simm.s32 $_tile_overlayer_lowered  }
0x9f: {  	s23 =	simm.s32 $0x1BFF;
	s22 =	sshll.u32 s10, $0x1;
	s7 =	sadd.s32 s8, s20  }
0xa0: {  	s11 =	simm.s32 $0x0;
	s21 =	sshll.u32 s9, $0x1;
	s9 =	sadd.s32 s22, s7  }
0xa1: {  	[timem:s11], [sflag:s23] =	dma.local [hbm:s9], s21  }
0xa2: {  	_ =	swait.ge [sflag:s23], s21  }
0xa3: {  	s8 =	ssub.s32 $0x0, s21;
	[sflag:s23] =	ssyncset.done $0x0  }
0xa4: {  	[sflag:s23] =	ssyncadd.s32 s8;
	_ =	sdelay $0x1  }
0xa5: {  	s24 =	simm.s32 $0x1B8B  }
0xa6: {  	_ =	swait.ge [sflag:s24], $0x1  }
0xa7: {  	[sflag:s24] =	ssyncset.done $0x0  }
0xa8: {  	s25 =	simm.s32 $0x1B8E;
	[sflag:s24] =	ssyncadd.s32 $0xFFFFFFFF  }
0xa9: {  	s26 =	simm.s32 $execute0_lowered;
	[smem:$0x3FD2] =	sst s25  }
0xaa: {  	s8 =	sshll.u32 s26, $0x1;
	_ =	strace $0x80000046;
	[dreg:$0x1] =	wrdreg $0xFFFFFFFF  }
0xab: {  	s28 =	simm.s32 $_size_execute0_lowered;
	s7 =	sadd.s32 s7, s8;
	[dreg:$0x0] =	wrdreg $0x0  }
0xac: {  	s8 =	sshll.u32 s28, $0x1;
	[dreg:$0x2] =	wrdreg s7  }
0xad: {  	[dreg:$0x3] =	wrdreg s8  }
0xae: {  	[dreg:$0x4] =	wrdreg $0xC0  }
0xaf: {  	_ =	task [dreg:s11], $0x5FFFF  }
0xb0: {  	[dreg:$0x1] =	wrdreg $0xFFFFFFFF  }
0xb1: {  	[dreg:$0x0] =	wrdreg $0x60  }
0xb2: {  	[dreg:$0x2] =	wrdreg s2  }
0xb3: {  	[dreg:$0x3] =	wrdreg s19  }
0xb4: {  	[dreg:$0x4] =	wrdreg s4  }
0xb5: {  	[dreg:$0x5] =	wrdreg s5  }
0xb6: {  	[dreg:$0x6] =	wrdreg s6  }
0xb7: {  	[dreg:$0x7] =	wrdreg $0x9  }
0xb8: {  	_ =	task.clear_ibuf [dreg:s11], $0x8FFFF;
	_ =	strace $0x90000046  }
0xb9: {  	s29 =	simm.s32 $0x9;
	_ =	strace $0x80000048  }
0xba: {  	_ =	swait.ge [sflag:s29], $0x1  }
0xbb: {  	[sflag:s29] =	ssyncadd.s32 $0xFFFFFFFF  }
0xbc: {  	_ =	strace $0x90000048  }
0xbd: {  	_ =	sfence  }
0xbe: {  	s30 =	sld [smem:$0x0];
	_ =	sdelay $0x2  }
0xbf: {  	s31 =	sshll.u32 s1, $0xD;
	s1 =	sshrl.u32 s1, $0x2  }
0xc0: {  	s3 =	sand.u32 $0x4000, s31;
	s1 =	sadd.s32 s1, s30  }
0xc1: {  	s0 =	sor.u32 s3, s0;
	s1 =	sshll.u32 s1, $0x11  }
0xc2: {  	s0 =	sor.u32 s1, s0  }
0xc3: {  	s0 =	sadd.s32 $0x8F2B, s0  }
0xc4: {  	[sflag:s0] =	ssyncadd.remote.s32 $0x1  }
0xc5: {  	_ =	sfence.sel $0xFFFF  }
0xc6: {  	[dreg:$0x0] =	wrdreg $0xFFFFFFFF;
	(pc) =	sbr.abs _section_cstart, $3  }
0xc7: {  	[dreg:$0x1] =	wrdreg $0xFFFFFFFF  }
0xc8: {  	_ =	task.clear_ibuf [dreg:s11], $0x2FFFF;
	_ =	strace $0x9FFFFFFF  }
0xc9: {  	(tm) =	ssettm $0x7FFFFFFF  }
tec
execute0_lowered:
.L_overlay_start_1:
0x0: {  	(tag) =	ssettag $0x1  }
0x1: {  	v0 =	vlaneseq.u32;
	v12 =	vimm.s32 $0xFC9630  }
0x2: {  	v15 =	vimm.s32 $0xDA741;
	vm9 =	vcmask $0x1700;
	v17 =	vimm.s32 $0x15121B18  }
0x3: {  	vm10 =	vcmask $0x1300;
	v18 =	vimm.s32 $0x16131019;
	vm11 =	vcmask $0x2718  }
0x4: {  	v19 =	vimm.s32 $0x1714111A;
	v20 =	vimm.s32 $0x9A673401;
	v21 =	vimm.s32 $0x9B683502  }
0x5: {  	vm3 =	vcmask $0x2F2C;
	v24 =	vimm.s32 $0xA06D3A07;
	v25 =	vimm.s32 $0xA16E3B08  }
0x6: {  	v27 =	vimm.s32 $0xA3703D0A;
	v28 =	vimm.s32 $0xA4713E0B;
	v29 =	vimm.s32 $0xA5723F0C  }
0x7: {  	v30 =	vimm.s32 $0x9673400D;
	v31 =	vimm.s32 $0x9764410E;
	v32 =	vimm.s32 $0x9865320F  }
0x8: {  	v33 =	vimm.s32 $0xC7946330;
	v34 =	vimm.s32 $0xC6956231;
	v12 =	vunpack.c.l.s4.s8 v12  }
0x9: {  	v15 =	vunpack.c.l.s4.s8 v15;
	v17 =	vunpack.c.0.s8.s32 v17;
	v18 =	vunpack.c.0.s8.s32 v18  }
0xa: {  	v19 =	vunpack.c.0.s8.s32 v19;
	v20 =	vunpack.c.0.s8.s32 v20;
	v21 =	vunpack.c.0.s8.s32 v21  }
0xb: {  	v24 =	vunpack.c.0.s8.s32 v24;
	v25 =	vunpack.c.0.s8.s32 v25;
	v27 =	vunpack.c.0.s8.s32 v27  }
0xc: {  	v28 =	vunpack.c.0.s8.s32 v28;
	v29 =	vunpack.c.0.s8.s32 v29;
	v30 =	vunpack.c.0.s8.s32 v30  }
0xd: {  	s1 =	srdreg.scid;
	s0 =	stileid.u32;
	v31 =	vunpack.c.0.s8.s32 v31;
	v32 =	vunpack.c.0.s8.s32 v32;
	v33 =	vunpack.c.0.s8.s32 v33  }
0xe: {  	s8 =	sand.u32 $0x1, s1;
	s21 =	sshll.u32 s0, $0x1;
	v34 =	vunpack.c.0.s8.s32 v34;
	v16 =	vunpack.c.0.s8.s32 v12;
	v15 =	vunpack.c.0.s8.s32 v15  }
0xf: {  	s7 =	sor.u32 s8, s21;
	v24 =	vand.u32 $0xFF, v24;
	v25 =	vand.u32 $0xFF, v25;
	v27 =	vand.u32 $0xFF, v27  }
0x10: {  	s1 =	smul.u32 $0xC8, s7;
	v28 =	vand.u32 $0xFF, v28;
	v29 =	vand.u32 $0xFF, v29;
	v30 =	vand.u32 $0xFF, v30  }
0x11: {  	v31 =	vand.u32 $0xFF, v31;
	v32 =	vand.u32 $0xFF, v32;
	v33 =	vand.u32 $0xFF, v33  }
0x12: {  	v34 =	vand.u32 $0xFF, v34;
	v1 =	vadd.s32 s1, v0;
	s2 =	sadd.s32 $0x10, s1;
	s3 =	sadd.s32 $0x20, s1;
	v15 =	vand.u32 $0xF, v15  }
0x13: {  	s22 =	sadd.s32 $0x30, s1;
	s23 =	sadd.s32 $0x40, s1;
	s24 =	sadd.s32 $0x50, s1;
	v1 =	vmin.u32 v1, $0x18FF;
	v2 =	vadd.s32 s2, v0;
	v3 =	vadd.s32 s3, v0  }
0x14: {  	s25 =	sadd.s32 $0x60, s1;
	s26 =	sadd.s32 $0x70, s1;
	s28 =	sadd.s32 $0x80, s1;
	v4 =	vadd.s32 s22, v0;
	v5 =	vadd.s32 s23, v0;
	v6 =	vadd.s32 s24, v0  }
0x15: {  	s29 =	sadd.s32 $0x90, s1;
	s30 =	sadd.s32 $0xA0, s1;
	s31 =	sadd.s32 $0xB0, s1;
	v7 =	vadd.s32 s25, v0;
	v8 =	vadd.s32 s26, v0;
	v9 =	vadd.s32 s28, v0  }
0x16: {  	s1 =	sadd.s32 $0xC0, s1;
	v10 =	vadd.s32 s29, v0;
	v11 =	vadd.s32 s30, v0;
	v13 =	vadd.s32 s31, v0  }
0x17: {  	v14 =	vadd.s32 s1, v0;
	v15 =	vnsel vm10, $0x1C, v15;
	vm0 =	vlt.s32 v2, $0x18FF  }
0x18: {  	vm1 =	vlt.s32 v3, $0x18FF;
	vm12 =	vlt.s32 v4, $0x18FF;
	vm13 =	vlt.s32 v5, $0x18FF  }
0x19: {  	vm14 =	vlt.s32 v6, $0x18FF;
	vm15 =	vlt.s32 v7, $0x18FF;
	vm4 =	vlt.s32 v8, $0x18FF  }
0x1a: {  	vm5 =	vlt.s32 v9, $0x18FF;
	vm6 =	vlt.s32 v10, $0x18FF;
	vm7 =	vlt.s32 v11, $0x18FF  }
0x1b: {  	vm8 =	vlt.s32 v13, $0x18FF;
	vm2 =	vlt.s32 v14, $0x18FF;
	v2 =	vnsel vm0, $0x18FF, v2  }
0x1c: {  	v3 =	vnsel vm1, $0x18FF, v3;
	v4 =	vnsel vm12, $0x18FF, v4;
	v5 =	vnsel vm13, $0x18FF, v5  }
0x1d: {  	v6 =	vnsel vm14, $0x18FF, v6;
	v7 =	vnsel vm15, $0x18FF, v7;
	v8 =	vnsel vm4, $0x18FF, v8  }
0x1e: {  	v9 =	vnsel vm5, $0x18FF, v9;
	v10 =	vnsel vm6, $0x18FF, v10;
	v11 =	vnsel vm7, $0x18FF, v11  }
0x1f: {  	v12 =	vnsel vm8, $0x18FF, v13;
	v13 =	vnsel vm2, $0x18FF, v14;
	v14 =	vand.u32 $0xF, v16  }
0x20: {  	v16 =	vimm.s32 $0xEB852;
	vm12 =	vcmask $0x2314;
	vm8 =	vcmask $0x1B18  }
0x21: {  	vm7 =	vcmask $0x1F1C;
	vm6 =	vcmask $0x2320;
	vm5 =	vcmask $0x2724  }
0x22: {  	vm4 =	vcmask $0x2B28;
	vm13 =	vcmask $0x3330;
	vm14 =	vcmask $0x3734  }
0x23: {  	vm15 =	vcmask $0x3B38;
	v16 =	vunpack.c.l.s4.s8 v16;
	v14 =	vnsel vm9, $0x1B, v14  }
0x24: {  	v15 =	vsel vm12, v18, v15;
	v18 =	vand.u32 $0xFF, v21;
	vm9 =	vcmask $0x1714  }
0x25: {  	v21 =	vimm.s32 $0x9E6B3805;
	v14 =	vsel vm11, v17, v14;
	v17 =	vand.u32 $0xFF, v20  }
0x26: {  	vm11 =	vcmask $0xF00;
	v21 =	vunpack.c.0.s8.s32 v21;
	v16 =	vunpack.c.0.s8.s32 v16  }
0x27: {  	v17 =	vnsel vm11, $0x2EE, v17;
	v18 =	vnsel vm11, $0x2EF, v18;
	v24 =	vnsel vm11, $0x2F4, v24  }
0x28: {  	v25 =	vnsel vm11, $0x2F5, v25;
	v27 =	vnsel vm11, $0x2F7, v27;
	v28 =	vnsel vm11, $0x2F8, v28  }
0x29: {  	v29 =	vnsel vm11, $0x2F9, v29;
	v30 =	vnsel vm11, $0x2FA, v30;
	v31 =	vnsel vm11, $0x2FB, v31  }
0x2a: {  	v32 =	vnsel vm11, $0x2FC, v32;
	v33 =	vnsel vm11, $0x31F, v33;
	v16 =	vand.u32 $0xF, v16  }
0x2b: {  	v34 =	vnsel vm11, $0x31E, v34;
	v21 =	vand.u32 $0xFF, v21;
	v16 =	vnsel vm10, $0x1D, v16  }
0x2c: {  	v21 =	vnsel vm11, $0x2F2, v21;
	vm10 =	vcmask $0x1310;
	v16 =	vsel vm12, v19, v16  }
0x2d: {  	v17 =	vsel vm10, $0xCD, v17;
	v18 =	vsel vm10, $0xCE, v18;
	v21 =	vsel vm10, $0xD1, v21  }
0x2e: {  	v24 =	vsel vm10, $0xD3, v24;
	v25 =	vsel vm10, $0xD4, v25;
	v27 =	vsel vm10, $0xD6, v27  }
0x2f: {  	v28 =	vsel vm10, $0xD7, v28;
	v29 =	vsel vm10, $0xC8, v29;
	v30 =	vsel vm10, $0xC9, v30  }
0x30: {  	v31 =	vsel vm10, $0xCA, v31;
	v32 =	vsel vm10, $0xCB, v32;
	v33 =	vsel vm10, $0xF8, v33  }
0x31: {  	v34 =	vsel vm10, $0xF9, v34;
	v17 =	vsel vm9, $0x100, v17;
	v18 =	vsel vm9, $0x101, v18  }
0x32: {  	v21 =	vsel vm9, $0x104, v21;
	v24 =	vsel vm9, $0x106, v24;
	v25 =	vsel vm9, $0x107, v25  }
0x33: {  	v27 =	vsel vm9, $0x109, v27;
	v28 =	vsel vm9, $0xFA, v28;
	v29 =	vsel vm9, $0xFB, v29  }
0x34: {  	v30 =	vsel vm9, $0xFC, v30;
	v31 =	vsel vm9, $0xFD, v31;
	v32 =	vsel vm9, $0xFE, v32  }
0x35: {  	v33 =	vsel vm9, $0x12B, v33;
	v34 =	vsel vm9, $0x12A, v34;
	v17 =	vsel vm8, $0x133, v17  }
0x36: {  	v18 =	vsel vm8, $0x134, v18;
	v21 =	vsel vm8, $0x137, v21;
	v24 =	vsel vm8, $0x139, v24  }
0x37: {  	v25 =	vsel vm8, $0x13A, v25;
	v27 =	vsel vm8, $0x12C, v27;
	v28 =	vsel vm8, $0x12D, v28  }
0x38: {  	v29 =	vsel vm8, $0x12E, v29;
	v30 =	vsel vm8, $0x12F, v30;
	v31 =	vsel vm8, $0x130, v31  }
0x39: {  	v32 =	vsel vm8, $0x131, v32;
	v33 =	vsel vm8, $0x15C, v33;
	v34 =	vsel vm8, $0x15D, v34  }
0x3a: {  	v17 =	vsel vm7, $0x166, v17;
	v18 =	vsel vm7, $0x167, v18;
	v21 =	vsel vm7, $0x16A, v21  }
0x3b: {  	v24 =	vsel vm7, $0x16C, v24;
	v25 =	vsel vm7, $0x16D, v25;
	v27 =	vsel vm7, $0x15F, v27  }
0x3c: {  	v28 =	vsel vm7, $0x160, v28;
	v29 =	vsel vm7, $0x161, v29;
	v30 =	vsel vm7, $0x162, v30  }
0x3d: {  	v31 =	vsel vm7, $0x163, v31;
	v32 =	vsel vm7, $0x164, v32;
	v33 =	vsel vm7, $0x18F, v33  }
0x3e: {  	v34 =	vsel vm7, $0x18E, v34;
	v17 =	vsel vm6, $0x199, v17;
	v18 =	vsel vm6, $0x19A, v18  }
0x3f: {  	v21 =	vsel vm6, $0x19D, v21;
	v24 =	vsel vm6, $0x19F, v24;
	v25 =	vsel vm6, $0x190, v25  }
0x40: {  	v27 =	vsel vm6, $0x192, v27;
	v28 =	vsel vm6, $0x193, v28;
	v29 =	vsel vm6, $0x194, v29  }
0x41: {  	v30 =	vsel vm6, $0x195, v30;
	v31 =	vsel vm6, $0x196, v31;
	v32 =	vsel vm6, $0x197, v32  }
0x42: {  	v33 =	vsel vm6, $0x1C0, v33;
	v34 =	vsel vm6, $0x1C1, v34;
	v17 =	vsel vm5, $0x1CC, v17  }
0x43: {  	v18 =	vsel vm5, $0x1CD, v18;
	v21 =	vsel vm5, $0x1D0, v21;
	v24 =	vsel vm5, $0x1C2, v24  }
0x44: {  	v25 =	vsel vm5, $0x1C3, v25;
	v27 =	vsel vm5, $0x1C5, v27;
	v28 =	vsel vm5, $0x1C6, v28  }
0x45: {  	v29 =	vsel vm5, $0x1C7, v29;
	v30 =	vsel vm5, $0x1C8, v30;
	v31 =	vsel vm5, $0x1C9, v31  }
0x46: {  	v32 =	vsel vm5, $0x1CA, v32;
	v33 =	vsel vm5, $0x1F3, v33;
	v34 =	vsel vm5, $0x1F2, v34  }
0x47: {  	v17 =	vsel vm4, $0x1FF, v17;
	v18 =	vsel vm4, $0x200, v18;
	v21 =	vsel vm4, $0x203, v21  }
0x48: {  	v24 =	vsel vm4, $0x1F5, v24;
	v25 =	vsel vm4, $0x1F6, v25;
	v27 =	vsel vm4, $0x1F8, v27  }
0x49: {  	v28 =	vsel vm4, $0x1F9, v28;
	v29 =	vsel vm4, $0x1FA, v29;
	v30 =	vsel vm4, $0x1FB, v30  }
0x4a: {  	v31 =	vsel vm4, $0x1FC, v31;
	v32 =	vsel vm4, $0x1FD, v32;
	v33 =	vsel vm4, $0x224, v33  }
0x4b: {  	v34 =	vsel vm4, $0x225, v34;
	v17 =	vsel vm3, $0x232, v17;
	v18 =	vsel vm3, $0x233, v18  }
0x4c: {  	v21 =	vsel vm3, $0x226, v21;
	v24 =	vsel vm3, $0x228, v24;
	v25 =	vsel vm3, $0x229, v25  }
0x4d: {  	v27 =	vsel vm3, $0x22B, v27;
	v28 =	vsel vm3, $0x22C, v28;
	v29 =	vsel vm3, $0x22D, v29  }
0x4e: {  	v30 =	vsel vm3, $0x22E, v30;
	v31 =	vsel vm3, $0x22F, v31;
	v32 =	vsel vm3, $0x230, v32  }
0x4f: {  	v33 =	vsel vm3, $0x257, v33;
	v34 =	vsel vm3, $0x256, v34;
	v17 =	vsel vm13, $0x265, v17  }
0x50: {  	v18 =	vsel vm13, $0x266, v18;
	v21 =	vsel vm13, $0x259, v21;
	v19 =	vsel vm14, $0x298, v17  }
0x51: {  	v20 =	vsel vm14, $0x299, v18;
	v17 =	vimm.s32 $0x9C693603;
	v18 =	vimm.s32 $0x9D6A3704  }
0x52: {  	v24 =	vsel vm13, $0x25B, v24;
	v22 =	vunpack.c.0.s8.s32 v17;
	v23 =	vunpack.c.0.s8.s32 v18  }
0x53: {  	v25 =	vsel vm13, $0x25C, v25;
	v27 =	vsel vm13, $0x25E, v27;
	v18 =	vsel vm15, $0x2CB, v19  }
0x54: {  	v19 =	vsel vm15, $0x2BC, v20;
	v20 =	vand.u32 $0xFF, v22;
	v22 =	vand.u32 $0xFF, v23  }
0x55: {  	v28 =	vsel vm13, $0x25F, v28;
	v29 =	vsel vm13, $0x260, v29;
	v22 =	vnsel vm11, $0x2F1, v22  }
0x56: {  	v30 =	vsel vm13, $0x261, v30;
	v31 =	vsel vm13, $0x262, v31;
	v22 =	vsel vm10, $0xD0, v22  }
0x57: {  	v32 =	vsel vm13, $0x263, v32;
	v33 =	vsel vm13, $0x288, v33;
	v22 =	vsel vm9, $0x103, v22  }
0x58: {  	v34 =	vsel vm13, $0x289, v34;
	v24 =	vsel vm14, $0x28E, v24;
	v22 =	vsel vm8, $0x136, v22  }
0x59: {  	v25 =	vsel vm14, $0x28F, v25;
	v27 =	vsel vm14, $0x291, v27;
	v22 =	vsel vm7, $0x169, v22  }
0x5a: {  	v28 =	vsel vm14, $0x292, v28;
	v29 =	vsel vm14, $0x293, v29;
	v22 =	vsel vm6, $0x19C, v22  }
0x5b: {  	v30 =	vsel vm14, $0x294, v30;
	v31 =	vsel vm14, $0x295, v31;
	v22 =	vsel vm5, $0x1CF, v22  }
0x5c: {  	v32 =	vsel vm14, $0x296, v32;
	v33 =	vsel vm14, $0x2BB, v33;
	v22 =	vsel vm4, $0x202, v22  }
0x5d: {  	v34 =	vsel vm14, $0x2BA, v34;
	v17 =	vmul.u32 $0x33, v0;
	v22 =	vsel vm3, $0x235, v22  }
0x5e: {  	v23 =	vsel vm14, $0x28C, v21;
	v21 =	vimm.s32 $0x9F6C3906;
	v22 =	vsel vm13, $0x258, v22  }
0x5f: {  	v24 =	vsel vm15, $0x2C1, v24;
	v26 =	vunpack.c.0.s8.s32 v21;
	v22 =	vsel vm14, $0x28B, v22  }
0x60: {  	v25 =	vsel vm15, $0x2C2, v25;
	v27 =	vsel vm15, $0x2C4, v27;
	v21 =	vsel vm15, $0x2BE, v22  }
0x61: {  	v22 =	vsel vm15, $0x2BF, v23;
	v23 =	vand.u32 $0xFF, v26;
	v26 =	vimm.s32 $0xA26F3C09  }
0x62: {  	v28 =	vsel vm15, $0x2C5, v28;
	v29 =	vsel vm15, $0x2C6, v29;
	v26 =	vunpack.c.0.s8.s32 v26  }
0x63: {  	v30 =	vsel vm15, $0x2C7, v30;
	v31 =	vsel vm15, $0x2C8, v31;
	v32 =	vsel vm15, $0x2C9, v32  }
0x64: {  	v33 =	vsel vm15, $0x2EC, v33;
	v34 =	vsel vm15, $0x2ED, v34;
	v26 =	vand.u32 $0xFF, v26  }
0x65: {  	v20 =	vnsel vm11, $0x2F0, v20;
	v23 =	vnsel vm11, $0x2F3, v23;
	v26 =	vnsel vm11, $0x2F6, v26  }
0x66: {  	s4 =	rddreg [dreg:$0x3];
	v20 =	vsel vm10, $0xCF, v20;
	v23 =	vsel vm10, $0xD2, v23;
	v26 =	vsel vm10, $0xD5, v26  }
0x67: {  	s9 =	rddreg [dreg:$0x4];
	v20 =	vsel vm9, $0x102, v20;
	v23 =	vsel vm9, $0x105, v23;
	v26 =	vsel vm9, $0x108, v26  }
0x68: {  	s5 =	rddreg [dreg:$0x5];
	s6 =	simm.s32 $0x0;
	v20 =	vsel vm8, $0x135, v20;
	v23 =	vsel vm8, $0x138, v23;
	v26 =	vsel vm8, $0x13B, v26  }
0x69: {  	s11 =	simm.s32 $0x60;
	s12 =	simm.s32 $0x68E8;
	s13 =	simm.s32 $0x3400;
	v20 =	vsel vm7, $0x168, v20;
	v23 =	vsel vm7, $0x16B, v23;
	v26 =	vsel vm7, $0x15E, v26  }
0x6a: {  	s14 =	simm.s32 $0x6600;
	s15 =	simm.s32 $0x2;
	s16 =	simm.s32 $0x6680;
	v20 =	vsel vm6, $0x19B, v20;
	v23 =	vsel vm6, $0x19E, v23;
	v26 =	vsel vm6, $0x191, v26  }
0x6b: {  	s17 =	simm.s32 $0x6700;
	s18 =	simm.s32 $0x1;
	s19 =	simm.s32 $0x6780;
	v20 =	vsel vm5, $0x1CE, v20;
	v23 =	vsel vm5, $0x1D1, v23;
	v26 =	vsel vm5, $0x1C4, v26  }
0x6c: {  	s20 =	simm.s32 $0x6400;
	[smem:$0x7FF] =	sst s6;
	s8 =	ssub.s32 $0x2, s8;
	v20 =	vsel vm4, $0x201, v20;
	v23 =	vsel vm4, $0x1F4, v23;
	v26 =	vsel vm4, $0x1F7, v26  }
0x6d: {  	s21 =	simm.s32 $0x0;
	s10 =	sshrl.u32 s8, $0x1;
	s7 =	sshll.u32 s7, $0x6;
	v20 =	vsel vm3, $0x234, v20;
	v23 =	vsel vm3, $0x227, v23;
	v26 =	vsel vm3, $0x22A, v26  }
0x6e: {  	s8 =	ssub.s32 s8, s10;
	s7 =	sadd.s32 s9, s7;
	s1 =	rddreg [dreg:$0x0];
	v20 =	vsel vm13, $0x267, v20;
	v23 =	vsel vm13, $0x25A, v23;
	v26 =	vsel vm13, $0x25D, v26  }
0x6f: {  	s9 =	simm.s32 $0x68;
	s10 =	simm.s32 $0x6880;
	s2 =	rddreg [dreg:$0x1];
	v20 =	vsel vm14, $0x28A, v20;
	v23 =	vsel vm14, $0x28D, v23;
	v26 =	vsel vm14, $0x290, v26  }
0x70: {  	s8 =	smax.u32 s8, $0x1;
	s3 =	rddreg [dreg:$0x2];
	_ =	strace $0x80000047;
	v20 =	vsel vm15, $0x2BD, v20;
	v23 =	vsel vm15, $0x2C0, v23;
	v26 =	vsel vm15, $0x2C3, v26  }
.LBB2_1:
0x71: {  	[tilespmem:$0x6880] =	vst v1  }
0x72: {  	[tilespmem:$0x6890] =	vst v2  }
0x73: {  	[tilespmem:$0x68A0] =	vst v3  }
0x74: {  	[tilespmem:$0x68B0] =	vst v4  }
0x75: {  	[tilespmem:$0x68C0] =	vst v5  }
0x76: {  	[tilespmem:$0x68D0] =	vst v6  }
0x77: {  	[tilespmem:$0x68E0] =	vst v7  }
0x78: {  	[tilespmem:$0x68F0] =	vst v8  }
0x79: {  	[tilespmem:$0x6900] =	vst v9  }
0x7a: {  	[tilespmem:$0x6910] =	vst v10  }
0x7b: {  	[tilespmem:$0x6920] =	vst v11  }
0x7c: {  	[tilespmem:$0x6930] =	vst v12  }
0x7d: {  	[tilespmem:$0x6940] =	vst v13  }
0x7e: {  	[tilespmem:s6], [sflag:$0x1] =	stream.indirect.gather [hbm4b:s1+s9], $0x80, s10, s9, $0xb8;
	[tilespmem:$0x6980] =	vst v63  }
0x7f: {  	_ = 	snop  }
0x80: {  	[tilespmem:s13], [sflag:$0x1] =	stream.indirect.gather [hbm4b:s1+s11], $0x80, s12, s11, $0xb8;
	[tilespmem:$0x6980] =	vst v63  }
0x81: {  	_ = 	snop  }
0x82: {  	[tilespmem:s14], [sflag:$0x2] =	stream.linear.gather [hbm4b:s2+s6], $0x80, $0x38;
	[tilespmem:$0x6980] =	vst v63  }
0x83: {  	_ =	swait.ge [sflag:s15], $0x80  }
0x84: {  	[sflag:s15] =	ssyncset.done $0x0  }
0x85: {  	[sflag:s15] =	ssyncadd.s32 $0xFFFFFF80  }
0x86: {  	[tilespmem:s16], [sflag:$0x2] =	stream.linear.gather [hbm4b:s3+s6], $0x80, $0x38;
	[tilespmem:$0x6980] =	vst v63  }
0x87: {  	_ =	swait.ge [sflag:s15], $0x80  }
0x88: {  	[sflag:s15] =	ssyncset.done $0x0  }
0x89: {  	[sflag:s15] =	ssyncadd.s32 $0xFFFFFF80  }
0x8a: {  	[tilespmem:s17], [sflag:$0x2] =	stream.linear.gather [hbm4b:s4+s6], $0x80, $0x38;
	[tilespmem:$0x6980] =	vst v63  }
0x8b: {  	_ =	swait.ge [sflag:s15], $0x80  }
0x8c: {  	[sflag:s15] =	ssyncset.done $0x0  }
0x8d: {  	[sflag:s15] =	ssyncadd.s32 $0xFFFFFF80  }
0x8e: {  	v35 =	vld [tilespmem:$0x6680]  }
0x8f: {  	v36 =	vld.idx.msk [tilespmem:v14+s14+$0x0], $0xffff  }
0x90: {  	v37 =	vld.idx.msk [tilespmem:v15+s14+$0x0], $0xffff;
	_ =	sdelay $0x1  }
0x91: {  	v38 =	vld.idx.msk [tilespmem:v16+s14+$0x0], $0xffff  }
0x92: {  	v39 =	vbroadcast v35, $0x0;
	v40 =	vbroadcast v35, $0x1  }
0x93: {  	v35 =	vbroadcast v35, $0x2  }
0x94: {  	v36 =	vmul.f32 v39, v36;
	v37 =	vmul.f32 v40, v37;
	_ =	sdelay $0x1  }
0x95: {  	v35 =	vmul.f32 v35, v38;
	v36 =	vadd.f32 v37, v36;
	_ =	sdelay $0x1  }
0x96: {  	v35 =	vadd.f32 v36, v35;
	_ =	sdelay $0x1  }
0x97: {  	v35 =	vmul.f32 $4.999999890e-03, v35;
	_ =	sdelay $0x1  }
0x98: {  	v55 =	vbroadcast v35, $0x0  }
0x99: {  	v56 =	vbroadcast v35, $0x1  }
0x9a: {  	v57 =	vbroadcast v35, $0x2;
	[tilespmem:$0x6780] =	vst v55  }
0x9b: {  	v58 =	vbroadcast v35, $0x3;
	[tilespmem:$0x6790] =	vst v56  }
0x9c: {  	v59 =	vbroadcast v35, $0x4;
	[tilespmem:$0x67A0] =	vst v57  }
0x9d: {  	v60 =	vbroadcast v35, $0x5;
	[tilespmem:$0x67B0] =	vst v58  }
0x9e: {  	v61 =	vbroadcast v35, $0x6;
	[tilespmem:$0x67C0] =	vst v59  }
0x9f: {  	v62 =	vbroadcast v35, $0x7;
	[tilespmem:$0x67D0] =	vst v60  }
0xa0: {  	v63 =	vbroadcast v35, $0x8;
	[tilespmem:$0x67E0] =	vst v61  }
0xa1: {  	v35 =	vbroadcast v35, $0x9;
	[tilespmem:$0x67F0] =	vst v62  }
0xa2: {  	[tilespmem:$0x6800] =	vst v63  }
0xa3: {  	[tilespmem:$0x6810] =	vst v35  }
0xa4: {  	v35 =	vld.msk [tilespmem:$0x6700 ss:$0x0], $0xffff;
	_ =	swait.ge [sflag:s18], $0x3400  }
0xa5: {  	[sflag:s18] =	ssyncset.done $0x0  }
0xa6: {  	[sflag:s18] =	ssyncadd.s32 $0xFFFFCC00  }
0xa7: {  	_ =	swait.ge [sflag:s18], $0x3000  }
0xa8: {  	[sflag:s18] =	ssyncset.done $0x0  }
0xa9: {  	s22 =	simm.s32 $0x0;
	[sflag:s18] =	ssyncadd.s32 $0xFFFFD000  }
.LBB2_2:
0xaa: {  	s23 =	sshll.u32 s22, $0x4  }
0xab: {  	v36 =	vmov s23  }
0xac: {  	v36 =	vmul.u32 $0x32, v36  }
0xad: {  	s24 =	simm.s32 $0x0;
	v38 =	vmov v35  }
.LBB2_3:
0xae: {  	v37 =	vadd.s32 s24, v36  }
0xaf: {  	v37 =	vbroadcast v37, $0x0;
	_ =	sdelay $0x1  }
0xb0: {  	v39 =	vadd.s32 v17, v37;
	_ =	sdelay $0x4  }
0xb1: {  	v39 =	vld.idx.msk [tilespmem:v39+s6+$0x0], $0xffff;
	_ =	sdelay $0x2  }
0xb2: {  	v40 =	vadd.s32 v18, v37;
	_ =	sdelay $0x1  }
0xb3: {  	v41 =	vshll.u32 v39, $0x4  }
0xb4: {  	v41 =	vor.u32 v0, v41  }
0xb5: {  	v41 =	vand.u32 $0xFF, v41  }
0xb6: {  	v40 =	vld.idx.msk [tilespmem:v40+s6+$0x0], $0xffff;
	v43 =	vand.u32 $0xF0, v39  }
0xb7: {  	v42 =	vshrl.u32 v39, $0x4;
	v43 =	vor.u32 v0, v43  }
0xb8: {  	v44 =	vadd.s32 v19, v37;
	v42 =	vand.u32 $0xF0, v42  }
0xb9: {  	v39 =	vshrl.u32 v39, $0x8;
	v42 =	vor.u32 v0, v42  }
0xba: {  	v39 =	vand.u32 $0xF0, v39;
	v41 =	vld.idx.msk [tilespmem:v41+s19+$0x0], $0xffff  }
0xbb: {  	v45 =	vshll.u32 v40, $0x4;
	v39 =	vor.u32 v0, v39  }
0xbc: {  	v45 =	vor.u32 v0, v45;
	v43 =	vld.idx.msk [tilespmem:v43+s19+$0x0], $0xffff  }
0xbd: {  	v44 =	vld.idx.msk [tilespmem:v44+s6+$0x0], $0xffff;
	v45 =	vand.u32 $0xFF, v45  }
0xbe: {  	v46 =	vshrl.u32 v40, $0x4;
	v47 =	vand.u32 $0xF0, v40;
	v42 =	vld.idx.msk [tilespmem:v42+s19+$0x0], $0xffff  }
0xbf: {  	v50 =	vor.u32 v0, v47;
	v46 =	vand.u32 $0xF0, v46;
	v38 =	vadd.f32 v41, v38  }
0xc0: {  	v46 =	vor.u32 v0, v46;
	v39 =	vld.idx.msk [tilespmem:v39+s19+$0x0], $0xffff  }
0xc1: {  	v51 =	vadd.s32 v20, v37;
	v40 =	vshrl.u32 v40, $0x8;
	v38 =	vadd.f32 v43, v38  }
0xc2: {  	v40 =	vand.u32 $0xF0, v40;
	v45 =	vld.idx.msk [tilespmem:v45+s19+$0x0], $0xffff  }
0xc3: {  	v52 =	vshll.u32 v44, $0x4;
	v40 =	vor.u32 v0, v40;
	v38 =	vadd.f32 v42, v38  }
0xc4: {  	v41 =	vld.idx.msk [tilespmem:v50+s19+$0x0], $0xffff;
	v42 =	vor.u32 v0, v52  }
0xc5: {  	v53 =	vld.idx.msk [tilespmem:v46+s19+$0x0], $0xffff;
	v42 =	vand.u32 $0xFF, v42;
	v38 =	vadd.f32 v39, v38  }
0xc6: {  	v55 =	vand.u32 $0xF0, v44;
	v43 =	vld.idx.msk [tilespmem:v51+s6+$0x0], $0xffff  }
0xc7: {  	v54 =	vshrl.u32 v44, $0x4;
	v56 =	vor.u32 v0, v55;
	v38 =	vadd.f32 v45, v38  }
0xc8: {  	v58 =	vadd.s32 v21, v37;
	v46 =	vand.u32 $0xF0, v54;
	v40 =	vld.idx.msk [tilespmem:v40+s19+$0x0], $0xffff  }
0xc9: {  	v57 =	vshrl.u32 v44, $0x8;
	v46 =	vor.u32 v0, v46;
	v38 =	vadd.f32 v41, v38  }
0xca: {  	v42 =	vld.idx.msk [tilespmem:v42+s19+$0x0], $0xffff;
	v41 =	vand.u32 $0xF0, v57  }
0xcb: {  	v60 =	vshll.u32 v43, $0x4;
	v59 =	vor.u32 v0, v41;
	v38 =	vadd.f32 v53, v38  }
0xcc: {  	v45 =	vld.idx.msk [tilespmem:v56+s19+$0x0], $0xffff;
	v41 =	vor.u32 v0, v60  }
0xcd: {  	v44 =	vld.idx.msk [tilespmem:v58+s6+$0x0], $0xffff;
	v41 =	vand.u32 $0xFF, v41;
	v38 =	vadd.f32 v40, v38  }
0xce: {  	v61 =	vld.idx.msk [tilespmem:v46+s19+$0x0], $0xffff;
	v62 =	vshrl.u32 v43, $0x4;
	v63 =	vand.u32 $0xF0, v43  }
0xcf: {  	v48 =	vor.u32 v0, v63;
	v46 =	vand.u32 $0xF0, v62;
	v38 =	vadd.f32 v42, v38  }
0xd0: {  	v46 =	vor.u32 v0, v46;
	v39 =	vld.idx.msk [tilespmem:v59+s19+$0x0], $0xffff  }
0xd1: {  	v49 =	vadd.s32 v22, v37;
	v43 =	vshrl.u32 v43, $0x8;
	v38 =	vadd.f32 v45, v38  }
0xd2: {  	v43 =	vand.u32 $0xF0, v43;
	v41 =	vld.idx.msk [tilespmem:v41+s19+$0x0], $0xffff  }
0xd3: {  	v51 =	vshll.u32 v44, $0x4;
	v50 =	vor.u32 v0, v43;
	v38 =	vadd.f32 v61, v38  }
0xd4: {  	v43 =	vor.u32 v0, v51;
	v42 =	vld.idx.msk [tilespmem:v48+s19+$0x0], $0xffff  }
0xd5: {  	v43 =	vand.u32 $0xFF, v43;
	v52 =	vld.idx.msk [tilespmem:v46+s19+$0x0], $0xffff;
	v38 =	vadd.f32 v39, v38  }
0xd6: {  	v54 =	vand.u32 $0xF0, v44;
	v45 =	vld.idx.msk [tilespmem:v49+s6+$0x0], $0xffff  }
0xd7: {  	v55 =	vor.u32 v0, v54;
	v53 =	vshrl.u32 v44, $0x4;
	v38 =	vadd.f32 v41, v38  }
0xd8: {  	v57 =	vadd.s32 v23, v37;
	v46 =	vand.u32 $0xF0, v53;
	v40 =	vld.idx.msk [tilespmem:v50+s19+$0x0], $0xffff  }
0xd9: {  	v56 =	vshrl.u32 v44, $0x8;
	v46 =	vor.u32 v0, v46;
	v38 =	vadd.f32 v42, v38  }
0xda: {  	v43 =	vld.idx.msk [tilespmem:v43+s19+$0x0], $0xffff;
	v42 =	vand.u32 $0xF0, v56  }
0xdb: {  	v59 =	vshll.u32 v45, $0x4;
	v58 =	vor.u32 v0, v42;
	v38 =	vadd.f32 v52, v38  }
0xdc: {  	v41 =	vld.idx.msk [tilespmem:v55+s19+$0x0], $0xffff;
	v42 =	vor.u32 v0, v59  }
0xdd: {  	v44 =	vld.idx.msk [tilespmem:v57+s6+$0x0], $0xffff;
	v42 =	vand.u32 $0xFF, v42;
	v38 =	vadd.f32 v40, v38  }
0xde: {  	v60 =	vld.idx.msk [tilespmem:v46+s19+$0x0], $0xffff;
	v62 =	vand.u32 $0xF0, v45  }
0xdf: {  	v61 =	vshrl.u32 v45, $0x4;
	v63 =	vor.u32 v0, v62;
	v38 =	vadd.f32 v43, v38  }
0xe0: {  	v49 =	vadd.s32 v24, v37;
	v46 =	vand.u32 $0xF0, v61;
	v39 =	vld.idx.msk [tilespmem:v58+s19+$0x0], $0xffff  }
0xe1: {  	v48 =	vshrl.u32 v45, $0x8;
	v46 =	vor.u32 v0, v46;
	v38 =	vadd.f32 v41, v38  }
0xe2: {  	v42 =	vld.idx.msk [tilespmem:v42+s19+$0x0], $0xffff;
	v41 =	vand.u32 $0xF0, v48  }
0xe3: {  	v51 =	vshll.u32 v44, $0x4;
	v50 =	vor.u32 v0, v41;
	v38 =	vadd.f32 v60, v38  }
0xe4: {  	v43 =	vld.idx.msk [tilespmem:v63+s19+$0x0], $0xffff;
	v41 =	vor.u32 v0, v51  }
0xe5: {  	v45 =	vld.idx.msk [tilespmem:v49+s6+$0x0], $0xffff;
	v41 =	vand.u32 $0xFF, v41;
	v38 =	vadd.f32 v39, v38  }
0xe6: {  	v54 =	vand.u32 $0xF0, v44;
	v52 =	vld.idx.msk [tilespmem:v46+s19+$0x0], $0xffff  }
0xe7: {  	v53 =	vshrl.u32 v44, $0x4;
	v55 =	vor.u32 v0, v54;
	v38 =	vadd.f32 v42, v38  }
0xe8: {  	v57 =	vadd.s32 v25, v37;
	v46 =	vand.u32 $0xF0, v53;
	v40 =	vld.idx.msk [tilespmem:v50+s19+$0x0], $0xffff  }
0xe9: {  	v56 =	vshrl.u32 v44, $0x8;
	v46 =	vor.u32 v0, v46;
	v38 =	vadd.f32 v43, v38  }
0xea: {  	v41 =	vld.idx.msk [tilespmem:v41+s19+$0x0], $0xffff;
	v43 =	vand.u32 $0xF0, v56  }
0xeb: {  	v59 =	vshll.u32 v45, $0x4;
	v58 =	vor.u32 v0, v43;
	v38 =	vadd.f32 v52, v38  }
0xec: {  	v42 =	vld.idx.msk [tilespmem:v55+s19+$0x0], $0xffff;
	v43 =	vor.u32 v0, v59  }
0xed: {  	v44 =	vld.idx.msk [tilespmem:v57+s6+$0x0], $0xffff;
	v43 =	vand.u32 $0xFF, v43;
	v38 =	vadd.f32 v40, v38  }
0xee: {  	v62 =	vand.u32 $0xF0, v45;
	v60 =	vld.idx.msk [tilespmem:v46+s19+$0x0], $0xffff  }
0xef: {  	v61 =	vshrl.u32 v45, $0x4;
	v63 =	vor.u32 v0, v62;
	v38 =	vadd.f32 v41, v38  }
0xf0: {  	v49 =	vadd.s32 v26, v37;
	v46 =	vand.u32 $0xF0, v61;
	v39 =	vld.idx.msk [tilespmem:v58+s19+$0x0], $0xffff  }
0xf1: {  	v48 =	vshrl.u32 v45, $0x8;
	v46 =	vor.u32 v0, v46;
	v38 =	vadd.f32 v42, v38  }
0xf2: {  	v43 =	vld.idx.msk [tilespmem:v43+s19+$0x0], $0xffff;
	v42 =	vand.u32 $0xF0, v48  }
0xf3: {  	v51 =	vshll.u32 v44, $0x4;
	v50 =	vor.u32 v0, v42;
	v38 =	vadd.f32 v60, v38  }
0xf4: {  	v41 =	vld.idx.msk [tilespmem:v63+s19+$0x0], $0xffff;
	v42 =	vor.u32 v0, v51  }
0xf5: {  	v45 =	vld.idx.msk [tilespmem:v49+s6+$0x0], $0xffff;
	v42 =	vand.u32 $0xFF, v42;
	v38 =	vadd.f32 v39, v38  }
0xf6: {  	v54 =	vand.u32 $0xF0, v44;
	v52 =	vld.idx.msk [tilespmem:v46+s19+$0x0], $0xffff  }
0xf7: {  	v53 =	vshrl.u32 v44, $0x4;
	v55 =	vor.u32 v0, v54;
	v38 =	vadd.f32 v43, v38  }
0xf8: {  	v57 =	vadd.s32 v27, v37;
	v46 =	vand.u32 $0xF0, v53;
	v40 =	vld.idx.msk [tilespmem:v50+s19+$0x0], $0xffff  }
0xf9: {  	v56 =	vshrl.u32 v44, $0x8;
	v46 =	vor.u32 v0, v46;
	v38 =	vadd.f32 v41, v38  }
0xfa: {  	v42 =	vld.idx.msk [tilespmem:v42+s19+$0x0], $0xffff;
	v41 =	vand.u32 $0xF0, v56  }
0xfb: {  	v59 =	vshll.u32 v45, $0x4;
	v58 =	vor.u32 v0, v41;
	v38 =	vadd.f32 v52, v38  }
0xfc: {  	v43 =	vld.idx.msk [tilespmem:v55+s19+$0x0], $0xffff;
	v41 =	vor.u32 v0, v59  }
0xfd: {  	v44 =	vld.idx.msk [tilespmem:v57+s6+$0x0], $0xffff;
	v41 =	vand.u32 $0xFF, v41;
	v38 =	vadd.f32 v40, v38  }
0xfe: {  	v62 =	vand.u32 $0xF0, v45;
	v60 =	vld.idx.msk [tilespmem:v46+s19+$0x0], $0xffff  }
0xff: {  	v61 =	vshrl.u32 v45, $0x4;
	v63 =	vor.u32 v0, v62;
	v38 =	vadd.f32 v42, v38  }
0x100: {  	v49 =	vadd.s32 v28, v37;
	v46 =	vand.u32 $0xF0, v61;
	v39 =	vld.idx.msk [tilespmem:v58+s19+$0x0], $0xffff  }
0x101: {  	v48 =	vshrl.u32 v45, $0x8;
	v46 =	vor.u32 v0, v46;
	v38 =	vadd.f32 v43, v38  }
0x102: {  	v41 =	vld.idx.msk [tilespmem:v41+s19+$0x0], $0xffff;
	v43 =	vand.u32 $0xF0, v48  }
0x103: {  	v51 =	vshll.u32 v44, $0x4;
	v50 =	vor.u32 v0, v43;
	v38 =	vadd.f32 v60, v38  }
0x104: {  	v42 =	vld.idx.msk [tilespmem:v63+s19+$0x0], $0xffff;
	v43 =	vor.u32 v0, v51  }
0x105: {  	v45 =	vld.idx.msk [tilespmem:v49+s6+$0x0], $0xffff;
	v43 =	vand.u32 $0xFF, v43;
	v38 =	vadd.f32 v39, v38  }
0x106: {  	v54 =	vand.u32 $0xF0, v44;
	v52 =	vld.idx.msk [tilespmem:v46+s19+$0x0], $0xffff  }
0x107: {  	v53 =	vshrl.u32 v44, $0x4;
	v55 =	vor.u32 v0, v54;
	v38 =	vadd.f32 v41, v38  }
0x108: {  	v57 =	vadd.s32 v29, v37;
	v46 =	vand.u32 $0xF0, v53;
	v40 =	vld.idx.msk [tilespmem:v50+s19+$0x0], $0xffff  }
0x109: {  	v56 =	vshrl.u32 v44, $0x8;
	v46 =	vor.u32 v0, v46;
	v38 =	vadd.f32 v42, v38  }
0x10a: {  	v43 =	vld.idx.msk [tilespmem:v43+s19+$0x0], $0xffff;
	v42 =	vand.u32 $0xF0, v56  }
0x10b: {  	v59 =	vshll.u32 v45, $0x4;
	v58 =	vor.u32 v0, v42;
	v38 =	vadd.f32 v52, v38  }
0x10c: {  	v41 =	vld.idx.msk [tilespmem:v55+s19+$0x0], $0xffff;
	v42 =	vor.u32 v0, v59  }
0x10d: {  	v44 =	vld.idx.msk [tilespmem:v57+s6+$0x0], $0xffff;
	v42 =	vand.u32 $0xFF, v42;
	v38 =	vadd.f32 v40, v38  }
0x10e: {  	v62 =	vand.u32 $0xF0, v45;
	v60 =	vld.idx.msk [tilespmem:v46+s19+$0x0], $0xffff  }
0x10f: {  	v61 =	vshrl.u32 v45, $0x4;
	v63 =	vor.u32 v0, v62;
	v38 =	vadd.f32 v43, v38  }
0x110: {  	v49 =	vadd.s32 v30, v37;
	v46 =	vand.u32 $0xF0, v61;
	v39 =	vld.idx.msk [tilespmem:v58+s19+$0x0], $0xffff  }
0x111: {  	v48 =	vshrl.u32 v45, $0x8;
	v46 =	vor.u32 v0, v46;
	v38 =	vadd.f32 v41, v38  }
0x112: {  	v42 =	vld.idx.msk [tilespmem:v42+s19+$0x0], $0xffff;
	v41 =	vand.u32 $0xF0, v48  }
0x113: {  	v51 =	vshll.u32 v44, $0x4;
	v50 =	vor.u32 v0, v41;
	v38 =	vadd.f32 v60, v38  }
0x114: {  	v43 =	vld.idx.msk [tilespmem:v63+s19+$0x0], $0xffff;
	v41 =	vor.u32 v0, v51  }
0x115: {  	v45 =	vld.idx.msk [tilespmem:v49+s6+$0x0], $0xffff;
	v41 =	vand.u32 $0xFF, v41;
	v38 =	vadd.f32 v39, v38  }
0x116: {  	v54 =	vand.u32 $0xF0, v44;
	v52 =	vld.idx.msk [tilespmem:v46+s19+$0x0], $0xffff  }
0x117: {  	v53 =	vshrl.u32 v44, $0x4;
	v55 =	vor.u32 v0, v54;
	v38 =	vadd.f32 v42, v38  }
0x118: {  	v57 =	vadd.s32 v31, v37;
	v46 =	vand.u32 $0xF0, v53;
	v40 =	vld.idx.msk [tilespmem:v50+s19+$0x0], $0xffff  }
0x119: {  	v56 =	vshrl.u32 v44, $0x8;
	v46 =	vor.u32 v0, v46;
	v38 =	vadd.f32 v43, v38  }
0x11a: {  	v41 =	vld.idx.msk [tilespmem:v41+s19+$0x0], $0xffff;
	v43 =	vand.u32 $0xF0, v56  }
0x11b: {  	v59 =	vshll.u32 v45, $0x4;
	v58 =	vor.u32 v0, v43;
	v38 =	vadd.f32 v52, v38  }
0x11c: {  	v42 =	vld.idx.msk [tilespmem:v55+s19+$0x0], $0xffff;
	v43 =	vor.u32 v0, v59  }
0x11d: {  	v44 =	vld.idx.msk [tilespmem:v57+s6+$0x0], $0xffff;
	v43 =	vand.u32 $0xFF, v43;
	v38 =	vadd.f32 v40, v38  }
0x11e: {  	v62 =	vand.u32 $0xF0, v45;
	v60 =	vld.idx.msk [tilespmem:v46+s19+$0x0], $0xffff  }
0x11f: {  	v61 =	vshrl.u32 v45, $0x4;
	v63 =	vor.u32 v0, v62;
	v38 =	vadd.f32 v41, v38  }
0x120: {  	v37 =	vadd.s32 v32, v37;
	v46 =	vand.u32 $0xF0, v61;
	v39 =	vld.idx.msk [tilespmem:v58+s19+$0x0], $0xffff  }
0x121: {  	v48 =	vshrl.u32 v45, $0x8;
	v46 =	vor.u32 v0, v46;
	v38 =	vadd.f32 v42, v38  }
0x122: {  	v43 =	vld.idx.msk [tilespmem:v43+s19+$0x0], $0xffff;
	v42 =	vand.u32 $0xF0, v48  }
0x123: {  	v50 =	vshll.u32 v44, $0x4;
	v49 =	vor.u32 v0, v42;
	v38 =	vadd.f32 v60, v38  }
0x124: {  	v41 =	vld.idx.msk [tilespmem:v63+s19+$0x0], $0xffff;
	v42 =	vor.u32 v0, v50  }
0x125: {  	v37 =	vld.idx.msk [tilespmem:v37+s6+$0x0], $0xffff;
	v42 =	vand.u32 $0xFF, v42;
	v38 =	vadd.f32 v39, v38  }
0x126: {  	v51 =	vld.idx.msk [tilespmem:v46+s19+$0x0], $0xffff;
	v52 =	vand.u32 $0xF0, v44  }
0x127: {  	v53 =	vshrl.u32 v44, $0x4;
	v45 =	vor.u32 v0, v52;
	v38 =	vadd.f32 v43, v38  }
0x128: {  	v40 =	vld.idx.msk [tilespmem:v49+s19+$0x0], $0xffff;
	v43 =	vand.u32 $0xF0, v53  }
0x129: {  	v54 =	vshrl.u32 v44, $0x8;
	v43 =	vor.u32 v0, v43;
	v38 =	vadd.f32 v41, v38  }
0x12a: {  	v42 =	vld.idx.msk [tilespmem:v42+s19+$0x0], $0xffff;
	v41 =	vand.u32 $0xF0, v54  }
0x12b: {  	v56 =	vshll.u32 v37, $0x4;
	v55 =	vor.u32 v0, v41;
	v38 =	vadd.f32 v51, v38  }
0x12c: {  	v57 =	vld.idx.msk [tilespmem:v45+s19+$0x0], $0xffff;
	v41 =	vor.u32 v0, v56  }
0x12d: {  	v58 =	vand.u32 $0xFF, v41;
	v38 =	vadd.f32 v40, v38  }
0x12e: {  	v60 =	vand.u32 $0xF0, v37;
	v59 =	vld.idx.msk [tilespmem:v43+s19+$0x0], $0xffff  }
0x12f: {  	v61 =	vshrl.u32 v37, $0x4;
	v43 =	vor.u32 v0, v60;
	v38 =	vadd.f32 v42, v38  }
0x130: {  	v39 =	vld.idx.msk [tilespmem:v55+s19+$0x0], $0xffff;
	v42 =	vand.u32 $0xF0, v61  }
0x131: {  	v37 =	vshrl.u32 v37, $0x8;
	v42 =	vor.u32 v0, v42;
	v38 =	vadd.f32 v57, v38  }
0x132: {  	v37 =	vand.u32 $0xF0, v37;
	v40 =	vld.idx.msk [tilespmem:v58+s19+$0x0], $0xffff  }
0x133: {  	v37 =	vor.u32 v0, v37;
	v38 =	vadd.f32 v59, v38  }
0x134: {  	v62 =	vld.idx.msk [tilespmem:v43+s19+$0x0], $0xffff  }
0x135: {  	v38 =	vadd.f32 v39, v38  }
0x136: {  	v63 =	vld.idx.msk [tilespmem:v42+s19+$0x0], $0xffff  }
0x137: {  	v38 =	vadd.f32 v40, v38  }
0x138: {  	p0 =	sne.s32 s24, $0x20;
	v37 =	vld.idx.msk [tilespmem:v37+s19+$0x0], $0xffff  }
.Ltmp0:
0x139: {  	v38 =	vadd.f32 v62, v38;
	(pc) =	sbr.rel @p0 .LBB2_3-.Ltmp0, $3  }
0x13a: {  	_ = 	snop  }
0x13b: {  	v38 =	vadd.f32 v63, v38;
	_ =	sdelay $0x1  }
0x13c: {  	s24 =	sadd.s32 $0x10, s24;
	v38 =	vadd.f32 v37, v38  }
0x13d: {  	v36 =	vbroadcast v36, $0x0;
	_ =	sdelay $0x1  }
0x13e: {  	v37 =	vadd.s32 v33, v36;
	_ =	sdelay $0x4  }
0x13f: {  	v37 =	vld.idx.msk [tilespmem:v37+s6+$0x0], $0xffff;
	_ =	sdelay $0x2  }
0x140: {  	v36 =	vadd.s32 v34, v36;
	_ =	sdelay $0x1  }
0x141: {  	v39 =	vshll.u32 v37, $0x4  }
0x142: {  	v39 =	vor.u32 v0, v39  }
0x143: {  	v39 =	vand.u32 $0xFF, v39  }
0x144: {  	v36 =	vld.idx.msk [tilespmem:v36+s6+$0x0], $0xffff;
	v40 =	vand.u32 $0xF0, v37  }
0x145: {  	v41 =	vshrl.u32 v37, $0x4;
	v40 =	vor.u32 v0, v40  }
0x146: {  	v41 =	vand.u32 $0xF0, v41  }
0x147: {  	v37 =	vshrl.u32 v37, $0x8;
	v41 =	vor.u32 v0, v41  }
0x148: {  	v37 =	vand.u32 $0xF0, v37;
	v39 =	vld.idx.msk [tilespmem:v39+s19+$0x0], $0xffff  }
0x149: {  	v42 =	vshll.u32 v36, $0x4;
	v37 =	vor.u32 v0, v37  }
0x14a: {  	v42 =	vor.u32 v0, v42;
	v40 =	vld.idx.msk [tilespmem:v40+s19+$0x0], $0xffff  }
0x14b: {  	v42 =	vand.u32 $0xFF, v42  }
0x14c: {  	v43 =	vand.u32 $0xF0, v36;
	v41 =	vld.idx.msk [tilespmem:v41+s19+$0x0], $0xffff  }
0x14d: {  	v60 =	vshrl.u32 v36, $0x4;
	v43 =	vor.u32 v0, v43;
	v38 =	vadd.f32 v39, v38  }
0x14e: {  	v37 =	vld.idx.msk [tilespmem:v37+s19+$0x0], $0xffff;
	v39 =	vand.u32 $0xF0, v60  }
0x14f: {  	v36 =	vshrl.u32 v36, $0x8;
	v39 =	vor.u32 v0, v39;
	v38 =	vadd.f32 v40, v38  }
0x150: {  	v36 =	vand.u32 $0xF0, v36;
	v61 =	vld.idx.msk [tilespmem:v42+s19+$0x0], $0xffff  }
0x151: {  	v36 =	vor.u32 v0, v36;
	v38 =	vadd.f32 v41, v38  }
0x152: {  	v62 =	vld.idx.msk [tilespmem:v43+s19+$0x0], $0xffff  }
0x153: {  	v37 =	vadd.f32 v37, v38  }
0x154: {  	v63 =	vld.idx.msk [tilespmem:v39+s19+$0x0], $0xffff  }
0x155: {  	v37 =	vadd.f32 v61, v37  }
0x156: {  	v36 =	vld.idx.msk [tilespmem:v36+s19+$0x0], $0xffff  }
0x157: {  	s22 =	sadd.s32 $0x1, s22;
	v37 =	vadd.f32 v62, v37  }
0x158: {  	p0 =	sne.s32 s22, $0x20  }
.Ltmp1:
0x159: {  	v37 =	vadd.f32 v63, v37;
	(pc) =	sbr.rel @p0 .LBB2_2-.Ltmp1, $3  }
0x15a: {  	_ = 	snop  }
0x15b: {  	v36 =	vadd.f32 v36, v37;
	_ =	sdelay $0x1  }
0x15c: {  	[tilespmem:s23+$0x6400] =	vst v36  }
0x15d: {  	s21 =	sadd.s32 $0x1, s21  }
0x15e: {  	p0 =	sne.s32 s21, s8  }
.Ltmp2:
0x15f: {  	_ = 	snop;
	(pc) =	sbr.rel @p0 .LBB2_1-.Ltmp2, $4  }
0x160: {  	[hbm4b:s7+s6] =	stream.linear.scatter [tilespmem:s20], [sflag:$0x2], $0x200, $0x38;
	[tilespmem:$0x6980] =	vst v63  }
0x161: {  	_ =	swait.ge [sflag:s15], $0x200  }
0x162: {  	[sflag:s15] =	ssyncset.done $0x0  }
0x163: {  	[sflag:s15] =	ssyncadd.s32 $0xFFFFFE00  }
0x164: {  	_ =	sfence.sel $0x180000  }
0x165: {  	[bflag:$0x0] =	sbarrier.arrive $0xFFFF  }
0x166: {  	p0 =	sne.s32 s0, $0x0;
	_ =	strace $0x90000047  }
0x167: {  	s0 =	sadd.s32 @!p0 $0x100000, s5;
	[bflag:$0x2] =	sbarrier.arrive $0xFFFF  }
0x168: {  	[sflag:s0] =	ssyncadd.tile.s32 @!p0 $0x1;
	_ =	shalt  }
.Lfunc_end2:
_tile_overlayer_lowered:
.L_overlay_start_2:
0x169: {  	(tag) =	ssettag $0x2  }
0x16a: {  	s0 =	rddreg [dreg:$0x0];
	s2 =	stileid.u32  }
0x16b: {  	s1 =	rddreg [dreg:$0x1];
	p0 =	sne.s32 s2, $0x0  }
0x16c: {  	s3 =	rddreg [dreg:$0x2];
	[bflag:$0x3] =	sbarrier.arrive $0xFFFF;
	s2 =	simm.s32 @!p0 $0x1C02  }
0x16d: {  	[timem:s3], [sflag:s2] =	dma.local @!p0 [hbm:s0], s1  }
0x16e: {  	s0 =	simm.s32 @!p0 $0x2  }
0x16f: {  	_ =	swait.ge @!p0 [sflag:s0], s1  }
0x170: {  	s1 =	ssub.s32 @!p0 $0x0, s1;
	[sflag:s0] =	ssyncset.done @!p0 $0x0  }
0x171: {  	[sflag:s0] =	ssyncadd.s32 @!p0 s1  }
0x172: {  	[bflag:$0x3] =	sbarrier.arrive $0xFFFF  }
0x173: {  	_ =	shalt  }

</sc_bundles>
